<compile_context>
chip_gen: v7x
topology: tpu7x:2x2x1
jax: 0.10.2.dev20260603
libtpu: 0.0.44.dev20260713+nightly
codegen_flags: <defaults>
</compile_context>

<pallas_src>
import functools

import jax
import jax.numpy as jnp
from jax import lax
from jax.experimental import pallas as pl
from jax.experimental.pallas import tpu as pltpu
from jax.experimental.pallas import tpu_sc as plsc

D = 64
DP = 128
NW = 32
CHUNK = 128
STREAMS_PER_BUF = 4
BUF_ROWS = CHUNK * STREAMS_PER_BUF

TC = 256
NCH = 999936 // TC
UNROLL = 4


def _repack_call(V):
    mesh = plsc.VectorSubcoreMesh(core_axis_name="c", subcore_axis_name="s")

    @functools.partial(
        pl.kernel,
        mesh=mesh,
        out_type=jax.ShapeDtypeStruct((V // 2, DP), jnp.float32),
        compiler_params=pltpu.CompilerParams(
            use_tc_tiling_on_sc=True, needs_layout_passes=False
        ),
        scratch_types=[
            pltpu.VMEM((D, TC), jnp.float32),
            pltpu.VMEM((D, TC), jnp.float32),
            pltpu.VMEM((TC // 2, DP), jnp.float32),
            pltpu.VMEM((TC // 2, DP), jnp.float32),
            pltpu.SemaphoreType.DMA,
            pltpu.SemaphoreType.DMA,
            pltpu.SemaphoreType.DMA,
            pltpu.SemaphoreType.DMA,
        ],
    )
    def repack(wt_hbm, tail_hbm, out_hbm, in0, in1, ov0, ov1, s0, s1, w0, w1):
        wid = lax.axis_index("s") * 2 + lax.axis_index("c")
        ins = (in0, in1)
        sems = (s0, s1)
        outs = (ov0, ov1)
        wsems = (w0, w1)
        d_idx = [jax.lax.iota(jnp.int32, 16) + k * 16 for k in range(4)]

        def fire(c, buf, sem):
            pltpu.make_async_copy(
                wt_hbm.at[:, pl.ds(c * TC, TC)], buf, sem
            ).start()

        def drain(buf, sem):
            pltpu.make_async_copy(
                wt_hbm.at[:, pl.ds(0, TC)], buf, sem
            ).wait()

        fire(wid, in0, s0)

        @pl.when(wid + 32 < NCH)
        def _():
            fire(wid + 32, in1, s1)

        def body(p, carry):
            for b in range(2):
                i = 2 * p + b
                c = wid + i * 32

                @pl.when(c < NCH)
                def _():
                    drain(ins[b], sems[b])

                    @pl.when(i >= 2)
                    def _():
                        pltpu.make_async_copy(
                            outs[b], out_hbm.at[pl.ds(0, TC // 2)], wsems[b]
                        ).wait()

                    def ubody(uu, tvec):
                        for v in range(UNROLL):
                            u = uu * UNROLL + v
                            t0 = tvec + (2 * v)
                            t1 = tvec + (2 * v + 1)
                            for k in range(4):
                                outs[b][u, pl.ds(k * 16, 16)] = (
                                    plsc.load_gather(ins[b], [d_idx[k], t0])
                                )
                                outs[b][u, pl.ds(64 + k * 16, 16)] = (
                                    plsc.load_gather(ins[b], [d_idx[k], t1])
                                )
                        return tvec + 2 * UNROLL

                    lax.fori_loop(
                        0,
                        TC // (2 * UNROLL),
                        ubody,
                        jnp.zeros((16,), jnp.int32),
                    )
                    pltpu.make_async_copy(
                        outs[b], out_hbm.at[pl.ds(c * (TC // 2), TC // 2)],
                        wsems[b],
                    ).start()
                    c2 = c + 64

                    @pl.when(c2 < NCH)
                    def _():
                        fire(c2, ins[b], sems[b])

            return carry

        n_iter = (NCH + 31) // 32
        lax.fori_loop(0, (n_iter + 1) // 2, body, 0)

        n_w = (NCH - wid + 31) // 32

        for b in range(2):
            @pl.when(n_w >= b + 1)
            def _(b=b):
                pltpu.make_async_copy(
                    outs[b], out_hbm.at[pl.ds(0, TC // 2)], wsems[b]
                ).wait()

        @pl.when(wid == 0)
        def _():
            pltpu.sync_copy(tail_hbm, ov0.at[pl.ds(0, 32)])
            pltpu.sync_copy(
                ov0.at[pl.ds(0, 32)], out_hbm.at[pl.ds(V // 2 - 32, 32)]
            )

    return repack


def _emb_call(total):
    b_per_w = total // NW
    n_rows = b_per_w // CHUNK
    n_bufs = b_per_w // BUF_ROWS

    mesh = plsc.VectorSubcoreMesh(core_axis_name="c", subcore_axis_name="s")

    @functools.partial(
        pl.kernel,
        mesh=mesh,
        out_type=jax.ShapeDtypeStruct((total, DP), jnp.float32),
        compiler_params=pltpu.CompilerParams(use_tc_tiling_on_sc=False),
        scratch_types=[
            pltpu.VMEM((n_rows, CHUNK), jnp.int32),
            pltpu.VMEM((BUF_ROWS, D), jnp.float32),
            pltpu.VMEM((BUF_ROWS, D), jnp.float32),
            pltpu.SemaphoreType.DMA,
            pltpu.SemaphoreType.DMA,
        ],
    )
    def emb(idx_hbm, table_hbm, out_hbm, idx_v, rows0, rows1, g0, g1):
        wid = lax.axis_index("s") * 2 + lax.axis_index("c")
        base = wid * b_per_w
        pltpu.sync_copy(idx_hbm.at[wid], idx_v)

        rows = (rows0, rows1)
        gsem = (g0, g1)

        def fire(g, rows_ref, sem):
            for j in range(STREAMS_PER_BUF):
                pltpu.make_async_copy(
                    table_hbm.at[idx_v.at[g * STREAMS_PER_BUF + j]],
                    rows_ref.at[pl.ds(j * CHUNK, CHUNK)],
                    sem,
                ).start()

        def drain(rows_ref, sem):
            pltpu.make_async_copy(
                table_hbm.at[pl.ds(0, BUF_ROWS)], rows_ref, sem
            ).wait()

        fire(0, rows0, g0)

        def body(p, carry):
            for b in range(2):
                g = p * 2 + b
                drain(rows[b], gsem[b])
                if b == 0:
                    fire(g + 1, rows[1], gsem[1])
                else:
                    @pl.when(g + 1 < n_bufs)
                    def _():
                        fire(g + 1, rows[0], gsem[0])
                pltpu.sync_copy(
                    rows[b],
                    out_hbm.at[pl.ds(base + g * BUF_ROWS, BUF_ROWS), pl.ds(0, D)],
                )
            return carry

        lax.fori_loop(0, n_bufs // 2, body, 0)

    return emb


def kernel(token_ids, weight):
    B, S = token_ids.shape
    total = B * S
    V = weight.shape[0]
    idx = token_ids.reshape(NW, total // (NW * CHUNK), CHUNK).astype(jnp.int32)
    wt = weight.T
    tail = weight[NCH * TC:].reshape(V // 2 - NCH * TC // 2, DP)
    table = _repack_call(V)(wt, tail).reshape(V, D)
    out = _emb_call(total)(idx, table)
    return out[:, :D].reshape(B, S, D)

# --- scband reference (transcript-rebuilt; emitter-appended) ---
"""Pipeline reference for scband-embedding-10565619548374 (READ-ONLY COPY).

The authoritative reference and input builder live on the scoring server;
editing this copy changes nothing except your own understanding.
"""

import jax, jax.numpy as jnp
import numpy as np

NUM_EMBEDDINGS = 1000000
EMBEDDING_DIM = 64

def setup_inputs(seed: int = 0) -> dict:
    key = jax.random.key(seed)
    k_ids, k_w = jax.random.split(key)
    token_ids = jax.random.randint(k_ids, (4096, 200), 0, NUM_EMBEDDINGS, dtype=jnp.int64 if jax.config.jax_enable_x64 else jnp.int32)
    # trunc_normal(mean=0, std=1, a=-3, b=3)
    weight = jax.random.truncated_normal(k_w, -3.0, 3.0, (NUM_EMBEDDINGS, EMBEDDING_DIM), dtype=jnp.float32)
    return {"token_ids": token_ids, "weight": weight}

def reference(token_ids, weight):
    # Embedding lookup: weight[token_ids] -> (B, S, d_model)
    return jnp.take(weight, token_ids.astype(jnp.int32), axis=0)

if __name__ == "__main__":
    import jax
    _d = setup_inputs()
    print(jax.jit(kernel)(*tuple(_d.values())))

</pallas_src>

<mosaic_0001>
#map = affine_map<(d0, d1) -> (0, 0, 0)>
#map1 = affine_map<(d0, d1) -> (0, 0)>
module attributes {stable_mosaic.version = 14 : i64} {
  func.func @emb(%arg0: i32, %arg1: i32, %arg2: memref<32x200x128xi32, #tpu.memory_space<hbm>>, %arg3: memref<1000000x64xf32, #tpu.memory_space<hbm>>, %arg4: memref<819200x128xf32, #tpu.memory_space<hbm>>, %arg5: memref<200x128xi32, #tpu.memory_space<vmem>>, %arg6: memref<512x64xf32, #tpu.memory_space<vmem>>, %arg7: memref<512x64xf32, #tpu.memory_space<vmem>>, %arg8: memref<!tpu.dma_semaphore, #tpu.memory_space<semaphore_mem>>, %arg9: memref<!tpu.dma_semaphore, #tpu.memory_space<semaphore_mem>>) attributes {dimension_semantics = [#tpu.dimension_semantics<core_parallel>, #tpu.dimension_semantics<subcore_parallel>], iteration_bounds = array<i64: 2, 16>, scalar_prefetch = 0 : i64, scratch_operands = 5 : i64, tpu.core_type = #tpu.core_type<sc_vector_subcore>, window_params = [{transform_indices = #map}, {transform_indices = #map1}, {transform_indices = #map1}]} {
    %mul3A = arith.constant 2 : i32
    %mul3A_0 = arith.muli %arg1, %mul3A : i32
    %add3A = arith.addi %mul3A_0, %arg0 : i32
    %mul3A_1 = arith.constant 25600 : i32
    %mul3A_2 = arith.muli %add3A, %mul3A_1 : i32
    "tpu.region"() ({
      %run_scoped3A = tpu.sem_alloc : memref<!tpu.dma_semaphore, #tpu.memory_space<semaphore_mem>>
      %dma_start3A_47 = arith.constant 0 : i32
      %dma_start3A_48 = arith.constant 0 : i32
      %dma_start3A_49 = tpu.memref_slice %arg2[%add3A, %dma_start3A_47, %dma_start3A_48] : memref<32x200x128xi32, #tpu.memory_space<hbm>> -> memref<1x200x128xi32, #tpu.memory_space<hbm>>
      %dma_start3A_50 = tpu.memref_squeeze %dma_start3A_49 : memref<1x200x128xi32, #tpu.memory_space<hbm>> -> memref<200x128xi32, #tpu.memory_space<hbm>>
      %dma_start3A_51 = arith.constant 0 : i32
      %dma_start3A_52 = arith.constant 0 : i32
      %dma_start3A_53 = tpu.memref_slice %arg2[%add3A, %dma_start3A_51, %dma_start3A_52] : memref<32x200x128xi32, #tpu.memory_space<hbm>> -> memref<1x200x128xi32, #tpu.memory_space<hbm>>
      %dma_start3A_54 = tpu.memref_squeeze %dma_start3A_53 : memref<1x200x128xi32, #tpu.memory_space<hbm>> -> memref<200x128xi32, #tpu.memory_space<hbm>>
      tpu.enqueue_dma source(%dma_start3A_54 : memref<200x128xi32, #tpu.memory_space<hbm>>) target(%arg5 : memref<200x128xi32, #tpu.memory_space<vmem>>) target_semaphore(%run_scoped3A : memref<!tpu.dma_semaphore, #tpu.memory_space<semaphore_mem>>)
      %dma_wait3A = arith.constant 0 : i32
      %dma_wait3A_55 = arith.constant 0 : i32
      %dma_wait3A_56 = tpu.memref_slice %arg2[%add3A, %dma_wait3A, %dma_wait3A_55] : memref<32x200x128xi32, #tpu.memory_space<hbm>> -> memref<1x200x128xi32, #tpu.memory_space<hbm>>
      %dma_wait3A_57 = tpu.memref_squeeze %dma_wait3A_56 : memref<1x200x128xi32, #tpu.memory_space<hbm>> -> memref<200x128xi32, #tpu.memory_space<hbm>>
      %dma_wait3A_58 = arith.constant 0 : i32
      %dma_wait3A_59 = arith.constant 0 : i32
      %dma_wait3A_60 = tpu.memref_slice %arg2[%add3A, %dma_wait3A_58, %dma_wait3A_59] : memref<32x200x128xi32, #tpu.memory_space<hbm>> -> memref<1x200x128xi32, #tpu.memory_space<hbm>>
      %dma_wait3A_61 = tpu.memref_squeeze %dma_wait3A_60 : memref<1x200x128xi32, #tpu.memory_space<hbm>> -> memref<200x128xi32, #tpu.memory_space<hbm>>
      tpu.wait_dma2 semaphore(%run_scoped3A : memref<!tpu.dma_semaphore, #tpu.memory_space<semaphore_mem>>) src(%dma_wait3A_61 : memref<200x128xi32, #tpu.memory_space<hbm>>) dst(%arg5 : memref<200x128xi32, #tpu.memory_space<vmem>>)
      tpu.yield
    }) : () -> ()
    %dma_start3A = arith.constant 0 : i32
    %dma_start3A_3 = arith.constant 0 : i32
    %dma_start3A_4 = arith.constant 0 : i32
    %dma_start3A_5 = tpu.memref_slice %arg6[%dma_start3A_3, %dma_start3A_4] : memref<512x64xf32, #tpu.memory_space<vmem>> -> memref<128x64xf32, #tpu.memory_space<vmem>>
    %dma_start3A_6 = arith.constant 0 : i32
    %dma_start3A_7 = tpu.memref_slice %arg5[%dma_start3A, %dma_start3A_6] : memref<200x128xi32, #tpu.memory_space<vmem>> -> memref<1x128xi32, #tpu.memory_space<vmem>>
    %dma_start3A_8 = tpu.memref_squeeze %dma_start3A_7 : memref<1x128xi32, #tpu.memory_space<vmem>> -> memref<128xi32, #tpu.memory_space<vmem>>
    %dma_start3A_9 = arith.constant 0 : i32
    %dma_start3A_10 = arith.constant 0 : i32
    %dma_start3A_11 = tpu.memref_slice %arg3[%dma_start3A_9, %dma_start3A_10] : memref<1000000x64xf32, #tpu.memory_space<hbm>> -> memref<1000000x64xf32, #tpu.memory_space<hbm>>
    tpu.enqueue_indirect_dma source(%dma_start3A_11 : memref<1000000x64xf32, #tpu.memory_space<hbm>>) target(%dma_start3A_5 : memref<128x64xf32, #tpu.memory_space<vmem>>) offsets(%dma_start3A_8 : memref<128xi32, #tpu.memory_space<vmem>>) semaphore(%arg8 : memref<!tpu.dma_semaphore, #tpu.memory_space<semaphore_mem>>)
    %dma_start3A_12 = arith.constant 1 : i32
    %dma_start3A_13 = arith.constant 128 : i32
    %dma_start3A_14 = arith.constant 0 : i32
    %dma_start3A_15 = tpu.memref_slice %arg6[%dma_start3A_13, %dma_start3A_14] : memref<512x64xf32, #tpu.memory_space<vmem>> -> memref<128x64xf32, #tpu.memory_space<vmem>>
    %dma_start3A_16 = arith.constant 0 : i32
    %dma_start3A_17 = tpu.memref_slice %arg5[%dma_start3A_12, %dma_start3A_16] : memref<200x128xi32, #tpu.memory_space<vmem>> -> memref<1x128xi32, #tpu.memory_space<vmem>>
    %dma_start3A_18 = tpu.memref_squeeze %dma_start3A_17 : memref<1x128xi32, #tpu.memory_space<vmem>> -> memref<128xi32, #tpu.memory_space<vmem>>
    %dma_start3A_19 = arith.constant 0 : i32
    %dma_start3A_20 = arith.constant 0 : i32
    %dma_start3A_21 = tpu.memref_slice %arg3[%dma_start3A_19, %dma_start3A_20] : memref<1000000x64xf32, #tpu.memory_space<hbm>> -> memref<1000000x64xf32, #tpu.memory_space<hbm>>
    tpu.enqueue_indirect_dma source(%dma_start3A_21 : memref<1000000x64xf32, #tpu.memory_space<hbm>>) target(%dma_start3A_15 : memref<128x64xf32, #tpu.memory_space<vmem>>) offsets(%dma_start3A_18 : memref<128xi32, #tpu.memory_space<vmem>>) semaphore(%arg8 : memref<!tpu.dma_semaphore, #tpu.memory_space<semaphore_mem>>)
    %dma_start3A_22 = arith.constant 2 : i32
    %dma_start3A_23 = arith.constant 256 : i32
    %dma_start3A_24 = arith.constant 0 : i32
    %dma_start3A_25 = tpu.memref_slice %arg6[%dma_start3A_23, %dma_start3A_24] : memref<512x64xf32, #tpu.memory_space<vmem>> -> memref<128x64xf32, #tpu.memory_space<vmem>>
    %dma_start3A_26 = arith.constant 0 : i32
    %dma_start3A_27 = tpu.memref_slice %arg5[%dma_start3A_22, %dma_start3A_26] : memref<200x128xi32, #tpu.memory_space<vmem>> -> memref<1x128xi32, #tpu.memory_space<vmem>>
    %dma_start3A_28 = tpu.memref_squeeze %dma_start3A_27 : memref<1x128xi32, #tpu.memory_space<vmem>> -> memref<128xi32, #tpu.memory_space<vmem>>
    %dma_start3A_29 = arith.constant 0 : i32
    %dma_start3A_30 = arith.constant 0 : i32
    %dma_start3A_31 = tpu.memref_slice %arg3[%dma_start3A_29, %dma_start3A_30] : memref<1000000x64xf32, #tpu.memory_space<hbm>> -> memref<1000000x64xf32, #tpu.memory_space<hbm>>
    tpu.enqueue_indirect_dma source(%dma_start3A_31 : memref<1000000x64xf32, #tpu.memory_space<hbm>>) target(%dma_start3A_25 : memref<128x64xf32, #tpu.memory_space<vmem>>) offsets(%dma_start3A_28 : memref<128xi32, #tpu.memory_space<vmem>>) semaphore(%arg8 : memref<!tpu.dma_semaphore, #tpu.memory_space<semaphore_mem>>)
    %dma_start3A_32 = arith.constant 3 : i32
    %dma_start3A_33 = arith.constant 384 : i32
    %dma_start3A_34 = arith.constant 0 : i32
    %dma_start3A_35 = tpu.memref_slice %arg6[%dma_start3A_33, %dma_start3A_34] : memref<512x64xf32, #tpu.memory_space<vmem>> -> memref<128x64xf32, #tpu.memory_space<vmem>>
    %dma_start3A_36 = arith.constant 0 : i32
    %dma_start3A_37 = tpu.memref_slice %arg5[%dma_start3A_32, %dma_start3A_36] : memref<200x128xi32, #tpu.memory_space<vmem>> -> memref<1x128xi32, #tpu.memory_space<vmem>>
    %dma_start3A_38 = tpu.memref_squeeze %dma_start3A_37 : memref<1x128xi32, #tpu.memory_space<vmem>> -> memref<128xi32, #tpu.memory_space<vmem>>
    %dma_start3A_39 = arith.constant 0 : i32
    %dma_start3A_40 = arith.constant 0 : i32
    %dma_start3A_41 = tpu.memref_slice %arg3[%dma_start3A_39, %dma_start3A_40] : memref<1000000x64xf32, #tpu.memory_space<hbm>> -> memref<1000000x64xf32, #tpu.memory_space<hbm>>
    tpu.enqueue_indirect_dma source(%dma_start3A_41 : memref<1000000x64xf32, #tpu.memory_space<hbm>>) target(%dma_start3A_35 : memref<128x64xf32, #tpu.memory_space<vmem>>) offsets(%dma_start3A_38 : memref<128xi32, #tpu.memory_space<vmem>>) semaphore(%arg8 : memref<!tpu.dma_semaphore, #tpu.memory_space<semaphore_mem>>)
    %scan3A = arith.constant 0 : i32
    %scan3A_42 = arith.constant 0 : i32
    %scan3A_43 = arith.constant 25 : i32
    %scan3A_44 = arith.addi %scan3A_42, %scan3A_43 : i32
    %scan3A_45 = arith.constant 1 : i32
    scf.for %scan3A_47 = %scan3A_42 to %scan3A_44 step %scan3A_45  : i32 {
      %mul3A_48 = arith.constant 2 : i32
      %mul3A_49 = arith.muli %scan3A_47, %mul3A_48 : i32
      %add3A_50 = arith.constant 0 : i32
      %add3A_51 = arith.addi %mul3A_49, %add3A_50 : i32
      %dma_wait3A = arith.constant 0 : i32
      %dma_wait3A_52 = arith.constant 0 : i32
      %dma_wait3A_53 = tpu.memref_slice %arg3[%dma_wait3A, %dma_wait3A_52] : memref<1000000x64xf32, #tpu.memory_space<hbm>> -> memref<512x64xf32, #tpu.memory_space<hbm>>
      %dma_wait3A_54 = arith.constant 0 : i32
      %dma_wait3A_55 = arith.constant 0 : i32
      %dma_wait3A_56 = tpu.memref_slice %arg3[%dma_wait3A_54, %dma_wait3A_55] : memref<1000000x64xf32, #tpu.memory_space<hbm>> -> memref<512x64xf32, #tpu.memory_space<hbm>>
      tpu.wait_dma2 semaphore(%arg8 : memref<!tpu.dma_semaphore, #tpu.memory_space<semaphore_mem>>) src(%dma_wait3A_56 : memref<512x64xf32, #tpu.memory_space<hbm>>) dst(%arg6 : memref<512x64xf32, #tpu.memory_space<vmem>>)
      %add3A_57 = arith.constant 1 : i32
      %add3A_58 = arith.addi %add3A_51, %add3A_57 : i32
      %mul3A_59 = arith.constant 4 : i32
      %mul3A_60 = arith.muli %add3A_58, %mul3A_59 : i32
      %add3A_61 = arith.constant 0 : i32
      %add3A_62 = arith.addi %mul3A_60, %add3A_61 : i32
      %dma_start3A_63 = arith.constant 0 : i32
      %dma_start3A_64 = arith.constant 0 : i32
      %dma_start3A_65 = tpu.memref_slice %arg7[%dma_start3A_63, %dma_start3A_64] : memref<512x64xf32, #tpu.memory_space<vmem>> -> memref<128x64xf32, #tpu.memory_space<vmem>>
      %dma_start3A_66 = arith.constant 0 : i32
      %dma_start3A_67 = tpu.memref_slice %arg5[%add3A_62, %dma_start3A_66] : memref<200x128xi32, #tpu.memory_space<vmem>> -> memref<1x128xi32, #tpu.memory_space<vmem>>
      %dma_start3A_68 = tpu.memref_squeeze %dma_start3A_67 : memref<1x128xi32, #tpu.memory_space<vmem>> -> memref<128xi32, #tpu.memory_space<vmem>>
      %dma_start3A_69 = arith.constant 0 : i32
      %dma_start3A_70 = arith.constant 0 : i32
      %dma_start3A_71 = tpu.memref_slice %arg3[%dma_start3A_69, %dma_start3A_70] : memref<1000000x64xf32, #tpu.memory_space<hbm>> -> memref<1000000x64xf32, #tpu.memory_space<hbm>>
      tpu.enqueue_indirect_dma source(%dma_start3A_71 : memref<1000000x64xf32, #tpu.memory_space<hbm>>) target(%dma_start3A_65 : memref<128x64xf32, #tpu.memory_space<vmem>>) offsets(%dma_start3A_68 : memref<128xi32, #tpu.memory_space<vmem>>) semaphore(%arg9 : memref<!tpu.dma_semaphore, #tpu.memory_space<semaphore_mem>>)
      %mul3A_72 = arith.constant 4 : i32
      %mul3A_73 = arith.muli %add3A_58, %mul3A_72 : i32
      %add3A_74 = arith.constant 1 : i32
      %add3A_75 = arith.addi %mul3A_73, %add3A_74 : i32
      %dma_start3A_76 = arith.constant 128 : i32
      %dma_start3A_77 = arith.constant 0 : i32
      %dma_start3A_78 = tpu.memref_slice %arg7[%dma_start3A_76, %dma_start3A_77] : memref<512x64xf32, #tpu.memory_space<vmem>> -> memref<128x64xf32, #tpu.memory_space<vmem>>
      %dma_start3A_79 = arith.constant 0 : i32
      %dma_start3A_80 = tpu.memref_slice %arg5[%add3A_75, %dma_start3A_79] : memref<200x128xi32, #tpu.memory_space<vmem>> -> memref<1x128xi32, #tpu.memory_space<vmem>>
      %dma_start3A_81 = tpu.memref_squeeze %dma_start3A_80 : memref<1x128xi32, #tpu.memory_space<vmem>> -> memref<128xi32, #tpu.memory_space<vmem>>
      %dma_start3A_82 = arith.constant 0 : i32
      %dma_start3A_83 = arith.constant 0 : i32
      %dma_start3A_84 = tpu.memref_slice %arg3[%dma_start3A_82, %dma_start3A_83] : memref<1000000x64xf32, #tpu.memory_space<hbm>> -> memref<1000000x64xf32, #tpu.memory_space<hbm>>
      tpu.enqueue_indirect_dma source(%dma_start3A_84 : memref<1000000x64xf32, #tpu.memory_space<hbm>>) target(%dma_start3A_78 : memref<128x64xf32, #tpu.memory_space<vmem>>) offsets(%dma_start3A_81 : memref<128xi32, #tpu.memory_space<vmem>>) semaphore(%arg9 : memref<!tpu.dma_semaphore, #tpu.memory_space<semaphore_mem>>)
      %mul3A_85 = arith.constant 4 : i32
      %mul3A_86 = arith.muli %add3A_58, %mul3A_85 : i32
      %add3A_87 = arith.constant 2 : i32
      %add3A_88 = arith.addi %mul3A_86, %add3A_87 : i32
      %dma_start3A_89 = arith.constant 256 : i32
      %dma_start3A_90 = arith.constant 0 : i32
      %dma_start3A_91 = tpu.memref_slice %arg7[%dma_start3A_89, %dma_start3A_90] : memref<512x64xf32, #tpu.memory_space<vmem>> -> memref<128x64xf32, #tpu.memory_space<vmem>>
      %dma_start3A_92 = arith.constant 0 : i32
      %dma_start3A_93 = tpu.memref_slice %arg5[%add3A_88, %dma_start3A_92] : memref<200x128xi32, #tpu.memory_space<vmem>> -> memref<1x128xi32, #tpu.memory_space<vmem>>
      %dma_start3A_94 = tpu.memref_squeeze %dma_start3A_93 : memref<1x128xi32, #tpu.memory_space<vmem>> -> memref<128xi32, #tpu.memory_space<vmem>>
      %dma_start3A_95 = arith.constant 0 : i32
      %dma_start3A_96 = arith.constant 0 : i32
      %dma_start3A_97 = tpu.memref_slice %arg3[%dma_start3A_95, %dma_start3A_96] : memref<1000000x64xf32, #tpu.memory_space<hbm>> -> memref<1000000x64xf32, #tpu.memory_space<hbm>>
      tpu.enqueue_indirect_dma source(%dma_start3A_97 : memref<1000000x64xf32, #tpu.memory_space<hbm>>) target(%dma_start3A_91 : memref<128x64xf32, #tpu.memory_space<vmem>>) offsets(%dma_start3A_94 : memref<128xi32, #tpu.memory_space<vmem>>) semaphore(%arg9 : memref<!tpu.dma_semaphore, #tpu.memory_space<semaphore_mem>>)
      %mul3A_98 = arith.constant 4 : i32
      %mul3A_99 = arith.muli %add3A_58, %mul3A_98 : i32
      %add3A_100 = arith.constant 3 : i32
      %add3A_101 = arith.addi %mul3A_99, %add3A_100 : i32
      %dma_start3A_102 = arith.constant 384 : i32
      %dma_start3A_103 = arith.constant 0 : i32
      %dma_start3A_104 = tpu.memref_slice %arg7[%dma_start3A_102, %dma_start3A_103] : memref<512x64xf32, #tpu.memory_space<vmem>> -> memref<128x64xf32, #tpu.memory_space<vmem>>
      %dma_start3A_105 = arith.constant 0 : i32
      %dma_start3A_106 = tpu.memref_slice %arg5[%add3A_101, %dma_start3A_105] : memref<200x128xi32, #tpu.memory_space<vmem>> -> memref<1x128xi32, #tpu.memory_space<vmem>>
      %dma_start3A_107 = tpu.memref_squeeze %dma_start3A_106 : memref<1x128xi32, #tpu.memory_space<vmem>> -> memref<128xi32, #tpu.memory_space<vmem>>
      %dma_start3A_108 = arith.constant 0 : i32
      %dma_start3A_109 = arith.constant 0 : i32
      %dma_start3A_110 = tpu.memref_slice %arg3[%dma_start3A_108, %dma_start3A_109] : memref<1000000x64xf32, #tpu.memory_space<hbm>> -> memref<1000000x64xf32, #tpu.memory_space<hbm>>
      tpu.enqueue_indirect_dma source(%dma_start3A_110 : memref<1000000x64xf32, #tpu.memory_space<hbm>>) target(%dma_start3A_104 : memref<128x64xf32, #tpu.memory_space<vmem>>) offsets(%dma_start3A_107 : memref<128xi32, #tpu.memory_space<vmem>>) semaphore(%arg9 : memref<!tpu.dma_semaphore, #tpu.memory_space<semaphore_mem>>)
      %mul3A_111 = arith.constant 512 : i32
      %mul3A_112 = arith.muli %add3A_51, %mul3A_111 : i32
      %add3A_113 = arith.addi %mul3A_2, %mul3A_112 : i32
      "tpu.region"() ({
        %run_scoped3A = tpu.sem_alloc : memref<!tpu.dma_semaphore, #tpu.memory_space<semaphore_mem>>
        %dma_start3A_131 = arith.constant 0 : i32
        %dma_start3A_132 = tpu.memref_slice %arg4[%add3A_113, %dma_start3A_131] : memref<819200x128xf32, #tpu.memory_space<hbm>> -> memref<512x64xf32, #tpu.memory_space<hbm>>
        %dma_start3A_133 = arith.constant 0 : i32
        %dma_start3A_134 = tpu.memref_slice %arg4[%add3A_113, %dma_start3A_133] : memref<819200x128xf32, #tpu.memory_space<hbm>> -> memref<512x64xf32, #tpu.memory_space<hbm>>
        tpu.enqueue_dma source(%arg6 : memref<512x64xf32, #tpu.memory_space<vmem>>) target(%dma_start3A_134 : memref<512x64xf32, #tpu.memory_space<hbm>>) target_semaphore(%run_scoped3A : memref<!tpu.dma_semaphore, #tpu.memory_space<semaphore_mem>>)
        %dma_wait3A_135 = arith.constant 0 : i32
        %dma_wait3A_136 = tpu.memref_slice %arg4[%add3A_113, %dma_wait3A_135] : memref<819200x128xf32, #tpu.memory_space<hbm>> -> memref<512x64xf32, #tpu.memory_space<hbm>>
        %dma_wait3A_137 = arith.constant 0 : i32
        %dma_wait3A_138 = tpu.memref_slice %arg4[%add3A_113, %dma_wait3A_137] : memref<819200x128xf32, #tpu.memory_space<hbm>> -> memref<512x64xf32, #tpu.memory_space<hbm>>
        tpu.wait_dma2 semaphore(%run_scoped3A : memref<!tpu.dma_semaphore, #tpu.memory_space<semaphore_mem>>) src(%arg6 : memref<512x64xf32, #tpu.memory_space<vmem>>) dst(%dma_wait3A_138 : memref<512x64xf32, #tpu.memory_space<hbm>>)
        tpu.yield
      }) : () -> ()
      %mul3A_114 = arith.constant 2 : i32
      %mul3A_115 = arith.muli %scan3A_47, %mul3A_114 : i32
      %add3A_116 = arith.constant 1 : i32
      %add3A_117 = arith.addi %mul3A_115, %add3A_116 : i32
      %dma_wait3A_118 = arith.constant 0 : i32
      %dma_wait3A_119 = arith.constant 0 : i32
      %dma_wait3A_120 = tpu.memref_slice %arg3[%dma_wait3A_118, %dma_wait3A_119] : memref<1000000x64xf32, #tpu.memory_space<hbm>> -> memref<512x64xf32, #tpu.memory_space<hbm>>
      %dma_wait3A_121 = arith.constant 0 : i32
      %dma_wait3A_122 = arith.constant 0 : i32
      %dma_wait3A_123 = tpu.memref_slice %arg3[%dma_wait3A_121, %dma_wait3A_122] : memref<1000000x64xf32, #tpu.memory_space<hbm>> -> memref<512x64xf32, #tpu.memory_space<hbm>>
      tpu.wait_dma2 semaphore(%arg9 : memref<!tpu.dma_semaphore, #tpu.memory_space<semaphore_mem>>) src(%dma_wait3A_123 : memref<512x64xf32, #tpu.memory_space<hbm>>) dst(%arg7 : memref<512x64xf32, #tpu.memory_space<vmem>>)
      %add3A_124 = arith.constant 1 : i32
      %add3A_125 = arith.addi %add3A_117, %add3A_124 : i32
      %lt3A = arith.constant 50 : i32
      %lt3A_126 = arith.cmpi slt, %add3A_125, %lt3A : i32
      %convert_element_type3A = arith.extui %lt3A_126 : i1 to i32
      %cond3A = arith.constant 0 : i32
      %cond3A_127 = arith.cmpi ne, %convert_element_type3A, %cond3A : i32
      scf.if %cond3A_127 {
        %add3A_131 = arith.constant 1 : i32
        %add3A_132 = arith.addi %add3A_117, %add3A_131 : i32
        %mul3A_133 = arith.constant 4 : i32
        %mul3A_134 = arith.muli %add3A_132, %mul3A_133 : i32
        %add3A_135 = arith.constant 0 : i32
        %add3A_136 = arith.addi %mul3A_134, %add3A_135 : i32
        %dma_start3A_137 = arith.constant 0 : i32
        %dma_start3A_138 = arith.constant 0 : i32
        %dma_start3A_139 = tpu.memref_slice %arg6[%dma_start3A_137, %dma_start3A_138] : memref<512x64xf32, #tpu.memory_space<vmem>> -> memref<128x64xf32, #tpu.memory_space<vmem>>
        %dma_start3A_140 = arith.constant 0 : i32
        %dma_start3A_141 = tpu.memref_slice %arg5[%add3A_136, %dma_start3A_140] : memref<200x128xi32, #tpu.memory_space<vmem>> -> memref<1x128xi32, #tpu.memory_space<vmem>>
        %dma_start3A_142 = tpu.memref_squeeze %dma_start3A_141 : memref<1x128xi32, #tpu.memory_space<vmem>> -> memref<128xi32, #tpu.memory_space<vmem>>
        %dma_start3A_143 = arith.constant 0 : i32
        %dma_start3A_144 = arith.constant 0 : i32
        %dma_start3A_145 = tpu.memref_slice %arg3[%dma_start3A_143, %dma_start3A_144] : memref<1000000x64xf32, #tpu.memory_space<hbm>> -> memref<1000000x64xf32, #tpu.memory_space<hbm>>
        tpu.enqueue_indirect_dma source(%dma_start3A_145 : memref<1000000x64xf32, #tpu.memory_space<hbm>>) target(%dma_start3A_139 : memref<128x64xf32, #tpu.memory_space<vmem>>) offsets(%dma_start3A_142 : memref<128xi32, #tpu.memory_space<vmem>>) semaphore(%arg8 : memref<!tpu.dma_semaphore, #tpu.memory_space<semaphore_mem>>)
        %mul3A_146 = arith.constant 4 : i32
        %mul3A_147 = arith.muli %add3A_132, %mul3A_146 : i32
        %add3A_148 = arith.constant 1 : i32
        %add3A_149 = arith.addi %mul3A_147, %add3A_148 : i32
        %dma_start3A_150 = arith.constant 128 : i32
        %dma_start3A_151 = arith.constant 0 : i32
        %dma_start3A_152 = tpu.memref_slice %arg6[%dma_start3A_150, %dma_start3A_151] : memref<512x64xf32, #tpu.memory_space<vmem>> -> memref<128x64xf32, #tpu.memory_space<vmem>>
        %dma_start3A_153 = arith.constant 0 : i32
        %dma_start3A_154 = tpu.memref_slice %arg5[%add3A_149, %dma_start3A_153] : memref<200x128xi32, #tpu.memory_space<vmem>> -> memref<1x128xi32, #tpu.memory_space<vmem>>
        %dma_start3A_155 = tpu.memref_squeeze %dma_start3A_154 : memref<1x128xi32, #tpu.memory_space<vmem>> -> memref<128xi32, #tpu.memory_space<vmem>>
        %dma_start3A_156 = arith.constant 0 : i32
        %dma_start3A_157 = arith.constant 0 : i32
        %dma_start3A_158 = tpu.memref_slice %arg3[%dma_start3A_156, %dma_start3A_157] : memref<1000000x64xf32, #tpu.memory_space<hbm>> -> memref<1000000x64xf32, #tpu.memory_space<hbm>>
        tpu.enqueue_indirect_dma source(%dma_start3A_158 : memref<1000000x64xf32, #tpu.memory_space<hbm>>) target(%dma_start3A_152 : memref<128x64xf32, #tpu.memory_space<vmem>>) offsets(%dma_start3A_155 : memref<128xi32, #tpu.memory_space<vmem>>) semaphore(%arg8 : memref<!tpu.dma_semaphore, #tpu.memory_space<semaphore_mem>>)
        %mul3A_159 = arith.constant 4 : i32
        %mul3A_160 = arith.muli %add3A_132, %mul3A_159 : i32
        %add3A_161 = arith.constant 2 : i32
        %add3A_162 = arith.addi %mul3A_160, %add3A_161 : i32
        %dma_start3A_163 = arith.constant 256 : i32
        %dma_start3A_164 = arith.constant 0 : i32
        %dma_start3A_165 = tpu.memref_slice %arg6[%dma_start3A_163, %dma_start3A_164] : memref<512x64xf32, #tpu.memory_space<vmem>> -> memref<128x64xf32, #tpu.memory_space<vmem>>
        %dma_start3A_166 = arith.constant 0 : i32
        %dma_start3A_167 = tpu.memref_slice %arg5[%add3A_162, %dma_start3A_166] : memref<200x128xi32, #tpu.memory_space<vmem>> -> memref<1x128xi32, #tpu.memory_space<vmem>>
        %dma_start3A_168 = tpu.memref_squeeze %dma_start3A_167 : memref<1x128xi32, #tpu.memory_space<vmem>> -> memref<128xi32, #tpu.memory_space<vmem>>
        %dma_start3A_169 = arith.constant 0 : i32
        %dma_start3A_170 = arith.constant 0 : i32
        %dma_start3A_171 = tpu.memref_slice %arg3[%dma_start3A_169, %dma_start3A_170] : memref<1000000x64xf32, #tpu.memory_space<hbm>> -> memref<1000000x64xf32, #tpu.memory_space<hbm>>
        tpu.enqueue_indirect_dma source(%dma_start3A_171 : memref<1000000x64xf32, #tpu.memory_space<hbm>>) target(%dma_start3A_165 : memref<128x64xf32, #tpu.memory_space<vmem>>) offsets(%dma_start3A_168 : memref<128xi32, #tpu.memory_space<vmem>>) semaphore(%arg8 : memref<!tpu.dma_semaphore, #tpu.memory_space<semaphore_mem>>)
        %mul3A_172 = arith.constant 4 : i32
        %mul3A_173 = arith.muli %add3A_132, %mul3A_172 : i32
        %add3A_174 = arith.constant 3 : i32
        %add3A_175 = arith.addi %mul3A_173, %add3A_174 : i32
        %dma_start3A_176 = arith.constant 384 : i32
        %dma_start3A_177 = arith.constant 0 : i32
        %dma_start3A_178 = tpu.memref_slice %arg6[%dma_start3A_176, %dma_start3A_177] : memref<512x64xf32, #tpu.memory_space<vmem>> -> memref<128x64xf32, #tpu.memory_space<vmem>>
        %dma_start3A_179 = arith.constant 0 : i32
        %dma_start3A_180 = tpu.memref_slice %arg5[%add3A_175, %dma_start3A_179] : memref<200x128xi32, #tpu.memory_space<vmem>> -> memref<1x128xi32, #tpu.memory_space<vmem>>
        %dma_start3A_181 = tpu.memref_squeeze %dma_start3A_180 : memref<1x128xi32, #tpu.memory_space<vmem>> -> memref<128xi32, #tpu.memory_space<vmem>>
        %dma_start3A_182 = arith.constant 0 : i32
        %dma_start3A_183 = arith.constant 0 : i32
        %dma_start3A_184 = tpu.memref_slice %arg3[%dma_start3A_182, %dma_start3A_183] : memref<1000000x64xf32, #tpu.memory_space<hbm>> -> memref<1000000x64xf32, #tpu.memory_space<hbm>>
        tpu.enqueue_indirect_dma source(%dma_start3A_184 : memref<1000000x64xf32, #tpu.memory_space<hbm>>) target(%dma_start3A_178 : memref<128x64xf32, #tpu.memory_space<vmem>>) offsets(%dma_start3A_181 : memref<128xi32, #tpu.memory_space<vmem>>) semaphore(%arg8 : memref<!tpu.dma_semaphore, #tpu.memory_space<semaphore_mem>>)
      } else {
      }
      %mul3A_128 = arith.constant 512 : i32
      %mul3A_129 = arith.muli %add3A_117, %mul3A_128 : i32
      %add3A_130 = arith.addi %mul3A_2, %mul3A_129 : i32
      "tpu.region"() ({
        %run_scoped3A = tpu.sem_alloc : memref<!tpu.dma_semaphore, #tpu.memory_space<semaphore_mem>>
        %dma_start3A_131 = arith.constant 0 : i32
        %dma_start3A_132 = tpu.memref_slice %arg4[%add3A_130, %dma_start3A_131] : memref<819200x128xf32, #tpu.memory_space<hbm>> -> memref<512x64xf32, #tpu.memory_space<hbm>>
        %dma_start3A_133 = arith.constant 0 : i32
        %dma_start3A_134 = tpu.memref_slice %arg4[%add3A_130, %dma_start3A_133] : memref<819200x128xf32, #tpu.memory_space<hbm>> -> memref<512x64xf32, #tpu.memory_space<hbm>>
        tpu.enqueue_dma source(%arg7 : memref<512x64xf32, #tpu.memory_space<vmem>>) target(%dma_start3A_134 : memref<512x64xf32, #tpu.memory_space<hbm>>) target_semaphore(%run_scoped3A : memref<!tpu.dma_semaphore, #tpu.memory_space<semaphore_mem>>)
        %dma_wait3A_135 = arith.constant 0 : i32
        %dma_wait3A_136 = tpu.memref_slice %arg4[%add3A_130, %dma_wait3A_135] : memref<819200x128xf32, #tpu.memory_space<hbm>> -> memref<512x64xf32, #tpu.memory_space<hbm>>
        %dma_wait3A_137 = arith.constant 0 : i32
        %dma_wait3A_138 = tpu.memref_slice %arg4[%add3A_130, %dma_wait3A_137] : memref<819200x128xf32, #tpu.memory_space<hbm>> -> memref<512x64xf32, #tpu.memory_space<hbm>>
        tpu.wait_dma2 semaphore(%run_scoped3A : memref<!tpu.dma_semaphore, #tpu.memory_space<semaphore_mem>>) src(%arg7 : memref<512x64xf32, #tpu.memory_space<vmem>>) dst(%dma_wait3A_138 : memref<512x64xf32, #tpu.memory_space<hbm>>)
        tpu.yield
      }) : () -> ()
    }
    %scan3A_46 = arith.constant 25 : i32
    return
  }
}

#map = affine_map<(d0, d1) -> (0, 0)>
module attributes {stable_mosaic.version = 14 : i64} {
  func.func @repack(%arg0: i32, %arg1: i32, %arg2: memref<64x1000000xf32, #tpu.memory_space<hbm>>, %arg3: memref<32x128xf32, #tpu.memory_space<hbm>>, %arg4: memref<500000x128xf32, #tpu.memory_space<hbm>>, %arg5: memref<64x256xf32, #tpu.memory_space<vmem>>, %arg6: memref<64x256xf32, #tpu.memory_space<vmem>>, %arg7: memref<128x128xf32, #tpu.memory_space<vmem>>, %arg8: memref<128x128xf32, #tpu.memory_space<vmem>>, %arg9: memref<!tpu.dma_semaphore, #tpu.memory_space<semaphore_mem>>, %arg10: memref<!tpu.dma_semaphore, #tpu.memory_space<semaphore_mem>>, %arg11: memref<!tpu.dma_semaphore, #tpu.memory_space<semaphore_mem>>, %arg12: memref<!tpu.dma_semaphore, #tpu.memory_space<semaphore_mem>>) attributes {dimension_semantics = [#tpu.dimension_semantics<core_parallel>, #tpu.dimension_semantics<subcore_parallel>], iteration_bounds = array<i64: 2, 16>, scalar_prefetch = 0 : i64, scratch_operands = 8 : i64, tpu.core_type = #tpu.core_type<sc_vector_subcore>, window_params = [{transform_indices = #map}, {transform_indices = #map}, {transform_indices = #map}]} {
    %mul3A = arith.constant 2 : i32
    %mul3A_0 = arith.muli %arg1, %mul3A : i32
    %add3A = arith.addi %mul3A_0, %arg0 : i32
    %iota3A = tpu.iota {dimensions = array<i32: 0>} : vector<16xi32>
    %add3A_1 = arith.constant 0 : i32
    %add3A_2 = vector.broadcast %add3A_1 : i32 to vector<16xi32>
    %add3A_3 = arith.addi %iota3A, %add3A_2 : vector<16xi32>
    %iota3A_4 = tpu.iota {dimensions = array<i32: 0>} : vector<16xi32>
    %add3A_5 = arith.constant 16 : i32
    %add3A_6 = vector.broadcast %add3A_5 : i32 to vector<16xi32>
    %add3A_7 = arith.addi %iota3A_4, %add3A_6 : vector<16xi32>
    %iota3A_8 = tpu.iota {dimensions = array<i32: 0>} : vector<16xi32>
    %add3A_9 = arith.constant 32 : i32
    %add3A_10 = vector.broadcast %add3A_9 : i32 to vector<16xi32>
    %add3A_11 = arith.addi %iota3A_8, %add3A_10 : vector<16xi32>
    %iota3A_12 = tpu.iota {dimensions = array<i32: 0>} : vector<16xi32>
    %add3A_13 = arith.constant 48 : i32
    %add3A_14 = vector.broadcast %add3A_13 : i32 to vector<16xi32>
    %add3A_15 = arith.addi %iota3A_12, %add3A_14 : vector<16xi32>
    %mul3A_16 = arith.constant 256 : i32
    %mul3A_17 = arith.muli %add3A, %mul3A_16 : i32
    %dma_start3A = arith.constant 0 : i32
    %dma_start3A_18 = tpu.memref_slice %arg2[%dma_start3A, %mul3A_17] : memref<64x1000000xf32, #tpu.memory_space<hbm>> -> memref<64x256xf32, #tpu.memory_space<hbm>>
    %dma_start3A_19 = arith.constant 0 : i32
    %dma_start3A_20 = tpu.memref_slice %arg2[%dma_start3A_19, %mul3A_17] : memref<64x1000000xf32, #tpu.memory_space<hbm>> -> memref<64x256xf32, #tpu.memory_space<hbm>>
    tpu.enqueue_dma source(%dma_start3A_20 : memref<64x256xf32, #tpu.memory_space<hbm>>) target(%arg5 : memref<64x256xf32, #tpu.memory_space<vmem>>) target_semaphore(%arg9 : memref<!tpu.dma_semaphore, #tpu.memory_space<semaphore_mem>>)
    %add3A_21 = arith.constant 32 : i32
    %add3A_22 = arith.addi %add3A, %add3A_21 : i32
    %lt3A = arith.constant 3906 : i32
    %lt3A_23 = arith.cmpi slt, %add3A_22, %lt3A : i32
    %convert_element_type3A = arith.extui %lt3A_23 : i1 to i32
    %cond3A = arith.constant 0 : i32
    %cond3A_24 = arith.cmpi ne, %convert_element_type3A, %cond3A : i32
    scf.if %cond3A_24 {
      %add3A_63 = arith.constant 32 : i32
      %add3A_64 = arith.addi %add3A, %add3A_63 : i32
      %mul3A_65 = arith.constant 256 : i32
      %mul3A_66 = arith.muli %add3A_64, %mul3A_65 : i32
      %dma_start3A_67 = arith.constant 0 : i32
      %dma_start3A_68 = tpu.memref_slice %arg2[%dma_start3A_67, %mul3A_66] : memref<64x1000000xf32, #tpu.memory_space<hbm>> -> memref<64x256xf32, #tpu.memory_space<hbm>>
      %dma_start3A_69 = arith.constant 0 : i32
      %dma_start3A_70 = tpu.memref_slice %arg2[%dma_start3A_69, %mul3A_66] : memref<64x1000000xf32, #tpu.memory_space<hbm>> -> memref<64x256xf32, #tpu.memory_space<hbm>>
      tpu.enqueue_dma source(%dma_start3A_70 : memref<64x256xf32, #tpu.memory_space<hbm>>) target(%arg6 : memref<64x256xf32, #tpu.memory_space<vmem>>) target_semaphore(%arg10 : memref<!tpu.dma_semaphore, #tpu.memory_space<semaphore_mem>>)
    } else {
    }
    %scan3A = arith.constant 0 : i32
    %scan3A_25 = arith.constant 0 : i32
    %scan3A_26 = arith.constant 62 : i32
    %scan3A_27 = arith.addi %scan3A_25, %scan3A_26 : i32
    %scan3A_28 = arith.constant 1 : i32
    scf.for %scan3A_63 = %scan3A_25 to %scan3A_27 step %scan3A_28  : i32 {
      %mul3A_64 = arith.constant 2 : i32
      %mul3A_65 = arith.muli %mul3A_64, %scan3A_63 : i32
      %add3A_66 = arith.constant 0 : i32
      %add3A_67 = arith.addi %mul3A_65, %add3A_66 : i32
      %mul3A_68 = arith.constant 32 : i32
      %mul3A_69 = arith.muli %add3A_67, %mul3A_68 : i32
      %add3A_70 = arith.addi %add3A, %mul3A_69 : i32
      %lt3A_71 = arith.constant 3906 : i32
      %lt3A_72 = arith.cmpi slt, %add3A_70, %lt3A_71 : i32
      %convert_element_type3A_73 = arith.extui %lt3A_72 : i1 to i32
      %cond3A_74 = arith.constant 0 : i32
      %cond3A_75 = arith.cmpi ne, %convert_element_type3A_73, %cond3A_74 : i32
      scf.if %cond3A_75 {
        %dma_wait3A = arith.constant 0 : i32
        %dma_wait3A_88 = arith.constant 0 : i32
        %dma_wait3A_89 = tpu.memref_slice %arg2[%dma_wait3A, %dma_wait3A_88] : memref<64x1000000xf32, #tpu.memory_space<hbm>> -> memref<64x256xf32, #tpu.memory_space<hbm>>
        %dma_wait3A_90 = arith.constant 0 : i32
        %dma_wait3A_91 = arith.constant 0 : i32
        %dma_wait3A_92 = tpu.memref_slice %arg2[%dma_wait3A_90, %dma_wait3A_91] : memref<64x1000000xf32, #tpu.memory_space<hbm>> -> memref<64x256xf32, #tpu.memory_space<hbm>>
        tpu.wait_dma2 semaphore(%arg9 : memref<!tpu.dma_semaphore, #tpu.memory_space<semaphore_mem>>) src(%dma_wait3A_92 : memref<64x256xf32, #tpu.memory_space<hbm>>) dst(%arg5 : memref<64x256xf32, #tpu.memory_space<vmem>>)
        %ge3A_93 = arith.constant 2 : i32
        %ge3A_94 = arith.cmpi sge, %add3A_67, %ge3A_93 : i32
        %convert_element_type3A_95 = arith.extui %ge3A_94 : i1 to i32
        %cond3A_96 = arith.constant 0 : i32
        %cond3A_97 = arith.cmpi ne, %convert_element_type3A_95, %cond3A_96 : i32
        scf.if %cond3A_97 {
          %dma_wait3A_118 = arith.constant 0 : i32
          %dma_wait3A_119 = arith.constant 0 : i32
          %dma_wait3A_120 = tpu.memref_slice %arg4[%dma_wait3A_118, %dma_wait3A_119] : memref<500000x128xf32, #tpu.memory_space<hbm>> -> memref<128x128xf32, #tpu.memory_space<hbm>>
          %dma_wait3A_121 = arith.constant 0 : i32
          %dma_wait3A_122 = arith.constant 0 : i32
          %dma_wait3A_123 = tpu.memref_slice %arg4[%dma_wait3A_121, %dma_wait3A_122] : memref<500000x128xf32, #tpu.memory_space<hbm>> -> memref<128x128xf32, #tpu.memory_space<hbm>>
          tpu.wait_dma2 semaphore(%arg11 : memref<!tpu.dma_semaphore, #tpu.memory_space<semaphore_mem>>) src(%arg7 : memref<128x128xf32, #tpu.memory_space<vmem>>) dst(%dma_wait3A_123 : memref<128x128xf32, #tpu.memory_space<hbm>>)
        } else {
        }
        %broadcast_in_dim3A = arith.constant 0 : i32
        %broadcast_in_dim3A_98 = vector.broadcast %broadcast_in_dim3A : i32 to vector<16xi32>
        %scan3A_99 = arith.constant 0 : i32
        %scan3A_100 = arith.constant 32 : i32
        %scan3A_101 = arith.addi %scan3A_99, %scan3A_100 : i32
        %scan3A_102 = arith.constant 1 : i32
        %scan3A_103 = scf.for %scan3A_118 = %scan3A_99 to %scan3A_101 step %scan3A_102 iter_args(%scan3A_119 = %broadcast_in_dim3A_98) -> (vector<16xi32>)  : i32 {
          %mul3A_120 = arith.constant 4 : i32
          %mul3A_121 = arith.muli %scan3A_118, %mul3A_120 : i32
          %add3A_122 = arith.constant 0 : i32
          %add3A_123 = arith.addi %mul3A_121, %add3A_122 : i32
          %add3A_124 = arith.constant 0 : i32
          %add3A_125 = vector.broadcast %add3A_124 : i32 to vector<16xi32>
          %add3A_126 = arith.addi %scan3A_119, %add3A_125 : vector<16xi32>
          %add3A_127 = arith.constant 1 : i32
          %add3A_128 = vector.broadcast %add3A_127 : i32 to vector<16xi32>
          %add3A_129 = arith.addi %scan3A_119, %add3A_128 : vector<16xi32>
          %gather3A = tpu.vector_load_idx %arg5[%add3A_3, %add3A_126] : memref<64x256xf32, #tpu.memory_space<vmem>>[vector<16xi32>, vector<16xi32>], vector<16xf32>,
          %swap3A = arith.index_cast %add3A_123 : i32 to index
          %swap3A_130 = arith.constant 0 : index
          %swap3A_131 = tpu.vector_load %arg7[%swap3A, %swap3A_130] {strides = array<i32>} : memref<128x128xf32, #tpu.memory_space<vmem>>, vector<16xf32>,
          tpu.vector_store %arg7[%swap3A, %swap3A_130], %gather3A {strides = array<i32>} : memref<128x128xf32, #tpu.memory_space<vmem>>, vector<16xf32>,
          %gather3A_132 = tpu.vector_load_idx %arg5[%add3A_3, %add3A_129] : memref<64x256xf32, #tpu.memory_space<vmem>>[vector<16xi32>, vector<16xi32>], vector<16xf32>,
          %swap3A_133 = arith.index_cast %add3A_123 : i32 to index
          %swap3A_134 = arith.constant 64 : index
          %swap3A_135 = tpu.vector_load %arg7[%swap3A_133, %swap3A_134] {strides = array<i32>} : memref<128x128xf32, #tpu.memory_space<vmem>>, vector<16xf32>,
          tpu.vector_store %arg7[%swap3A_133, %swap3A_134], %gather3A_132 {strides = array<i32>} : memref<128x128xf32, #tpu.memory_space<vmem>>, vector<16xf32>,
          %gather3A_136 = tpu.vector_load_idx %arg5[%add3A_7, %add3A_126] : memref<64x256xf32, #tpu.memory_space<vmem>>[vector<16xi32>, vector<16xi32>], vector<16xf32>,
          %swap3A_137 = arith.index_cast %add3A_123 : i32 to index
          %swap3A_138 = arith.constant 16 : index
          %swap3A_139 = tpu.vector_load %arg7[%swap3A_137, %swap3A_138] {strides = array<i32>} : memref<128x128xf32, #tpu.memory_space<vmem>>, vector<16xf32>,
          tpu.vector_store %arg7[%swap3A_137, %swap3A_138], %gather3A_136 {strides = array<i32>} : memref<128x128xf32, #tpu.memory_space<vmem>>, vector<16xf32>,
          %gather3A_140 = tpu.vector_load_idx %arg5[%add3A_7, %add3A_129] : memref<64x256xf32, #tpu.memory_space<vmem>>[vector<16xi32>, vector<16xi32>], vector<16xf32>,
          %swap3A_141 = arith.index_cast %add3A_123 : i32 to index
          %swap3A_142 = arith.constant 80 : index
          %swap3A_143 = tpu.vector_load %arg7[%swap3A_141, %swap3A_142] {strides = array<i32>} : memref<128x128xf32, #tpu.memory_space<vmem>>, vector<16xf32>,
          tpu.vector_store %arg7[%swap3A_141, %swap3A_142], %gather3A_140 {strides = array<i32>} : memref<128x128xf32, #tpu.memory_space<vmem>>, vector<16xf32>,
          %gather3A_144 = tpu.vector_load_idx %arg5[%add3A_11, %add3A_126] : memref<64x256xf32, #tpu.memory_space<vmem>>[vector<16xi32>, vector<16xi32>], vector<16xf32>,
          %swap3A_145 = arith.index_cast %add3A_123 : i32 to index
          %swap3A_146 = arith.constant 32 : index
          %swap3A_147 = tpu.vector_load %arg7[%swap3A_145, %swap3A_146] {strides = array<i32>} : memref<128x128xf32, #tpu.memory_space<vmem>>, vector<16xf32>,
          tpu.vector_store %arg7[%swap3A_145, %swap3A_146], %gather3A_144 {strides = array<i32>} : memref<128x128xf32, #tpu.memory_space<vmem>>, vector<16xf32>,
          %gather3A_148 = tpu.vector_load_idx %arg5[%add3A_11, %add3A_129] : memref<64x256xf32, #tpu.memory_space<vmem>>[vector<16xi32>, vector<16xi32>], vector<16xf32>,
          %swap3A_149 = arith.index_cast %add3A_123 : i32 to index
          %swap3A_150 = arith.constant 96 : index
          %swap3A_151 = tpu.vector_load %arg7[%swap3A_149, %swap3A_150] {strides = array<i32>} : memref<128x128xf32, #tpu.memory_space<vmem>>, vector<16xf32>,
          tpu.vector_store %arg7[%swap3A_149, %swap3A_150], %gather3A_148 {strides = array<i32>} : memref<128x128xf32, #tpu.memory_space<vmem>>, vector<16xf32>,
          %gather3A_152 = tpu.vector_load_idx %arg5[%add3A_15, %add3A_126] : memref<64x256xf32, #tpu.memory_space<vmem>>[vector<16xi32>, vector<16xi32>], vector<16xf32>,
          %swap3A_153 = arith.index_cast %add3A_123 : i32 to index
          %swap3A_154 = arith.constant 48 : index
          %swap3A_155 = tpu.vector_load %arg7[%swap3A_153, %swap3A_154] {strides = array<i32>} : memref<128x128xf32, #tpu.memory_space<vmem>>, vector<16xf32>,
          tpu.vector_store %arg7[%swap3A_153, %swap3A_154], %gather3A_152 {strides = array<i32>} : memref<128x128xf32, #tpu.memory_space<vmem>>, vector<16xf32>,
          %gather3A_156 = tpu.vector_load_idx %arg5[%add3A_15, %add3A_129] : memref<64x256xf32, #tpu.memory_space<vmem>>[vector<16xi32>, vector<16xi32>], vector<16xf32>,
          %swap3A_157 = arith.index_cast %add3A_123 : i32 to index
          %swap3A_158 = arith.constant 112 : index
          %swap3A_159 = tpu.vector_load %arg7[%swap3A_157, %swap3A_158] {strides = array<i32>} : memref<128x128xf32, #tpu.memory_space<vmem>>, vector<16xf32>,
          tpu.vector_store %arg7[%swap3A_157, %swap3A_158], %gather3A_156 {strides = array<i32>} : memref<128x128xf32, #tpu.memory_space<vmem>>, vector<16xf32>,
          %mul3A_160 = arith.constant 4 : i32
          %mul3A_161 = arith.muli %scan3A_118, %mul3A_160 : i32
          %add3A_162 = arith.constant 1 : i32
          %add3A_163 = arith.addi %mul3A_161, %add3A_162 : i32
          %add3A_164 = arith.constant 2 : i32
          %add3A_165 = vector.broadcast %add3A_164 : i32 to vector<16xi32>
          %add3A_166 = arith.addi %scan3A_119, %add3A_165 : vector<16xi32>
          %add3A_167 = arith.constant 3 : i32
          %add3A_168 = vector.broadcast %add3A_167 : i32 to vector<16xi32>
          %add3A_169 = arith.addi %scan3A_119, %add3A_168 : vector<16xi32>
          %gather3A_170 = tpu.vector_load_idx %arg5[%add3A_3, %add3A_166] : memref<64x256xf32, #tpu.memory_space<vmem>>[vector<16xi32>, vector<16xi32>], vector<16xf32>,
          %swap3A_171 = arith.index_cast %add3A_163 : i32 to index
          %swap3A_172 = arith.constant 0 : index
          %swap3A_173 = tpu.vector_load %arg7[%swap3A_171, %swap3A_172] {strides = array<i32>} : memref<128x128xf32, #tpu.memory_space<vmem>>, vector<16xf32>,
          tpu.vector_store %arg7[%swap3A_171, %swap3A_172], %gather3A_170 {strides = array<i32>} : memref<128x128xf32, #tpu.memory_space<vmem>>, vector<16xf32>,
          %gather3A_174 = tpu.vector_load_idx %arg5[%add3A_3, %add3A_169] : memref<64x256xf32, #tpu.memory_space<vmem>>[vector<16xi32>, vector<16xi32>], vector<16xf32>,
          %swap3A_175 = arith.index_cast %add3A_163 : i32 to index
          %swap3A_176 = arith.constant 64 : index
          %swap3A_177 = tpu.vector_load %arg7[%swap3A_175, %swap3A_176] {strides = array<i32>} : memref<128x128xf32, #tpu.memory_space<vmem>>, vector<16xf32>,
          tpu.vector_store %arg7[%swap3A_175, %swap3A_176], %gather3A_174 {strides = array<i32>} : memref<128x128xf32, #tpu.memory_space<vmem>>, vector<16xf32>,
          %gather3A_178 = tpu.vector_load_idx %arg5[%add3A_7, %add3A_166] : memref<64x256xf32, #tpu.memory_space<vmem>>[vector<16xi32>, vector<16xi32>], vector<16xf32>,
          %swap3A_179 = arith.index_cast %add3A_163 : i32 to index
          %swap3A_180 = arith.constant 16 : index
          %swap3A_181 = tpu.vector_load %arg7[%swap3A_179, %swap3A_180] {strides = array<i32>} : memref<128x128xf32, #tpu.memory_space<vmem>>, vector<16xf32>,
          tpu.vector_store %arg7[%swap3A_179, %swap3A_180], %gather3A_178 {strides = array<i32>} : memref<128x128xf32, #tpu.memory_space<vmem>>, vector<16xf32>,
          %gather3A_182 = tpu.vector_load_idx %arg5[%add3A_7, %add3A_169] : memref<64x256xf32, #tpu.memory_space<vmem>>[vector<16xi32>, vector<16xi32>], vector<16xf32>,
          %swap3A_183 = arith.index_cast %add3A_163 : i32 to index
          %swap3A_184 = arith.constant 80 : index
          %swap3A_185 = tpu.vector_load %arg7[%swap3A_183, %swap3A_184] {strides = array<i32>} : memref<128x128xf32, #tpu.memory_space<vmem>>, vector<16xf32>,
          tpu.vector_store %arg7[%swap3A_183, %swap3A_184], %gather3A_182 {strides = array<i32>} : memref<128x128xf32, #tpu.memory_space<vmem>>, vector<16xf32>,
          %gather3A_186 = tpu.vector_load_idx %arg5[%add3A_11, %add3A_166] : memref<64x256xf32, #tpu.memory_space<vmem>>[vector<16xi32>, vector<16xi32>], vector<16xf32>,
          %swap3A_187 = arith.index_cast %add3A_163 : i32 to index
          %swap3A_188 = arith.constant 32 : index
          %swap3A_189 = tpu.vector_load %arg7[%swap3A_187, %swap3A_188] {strides = array<i32>} : memref<128x128xf32, #tpu.memory_space<vmem>>, vector<16xf32>,
          tpu.vector_store %arg7[%swap3A_187, %swap3A_188], %gather3A_186 {strides = array<i32>} : memref<128x128xf32, #tpu.memory_space<vmem>>, vector<16xf32>,
          %gather3A_190 = tpu.vector_load_idx %arg5[%add3A_11, %add3A_169] : memref<64x256xf32, #tpu.memory_space<vmem>>[vector<16xi32>, vector<16xi32>], vector<16xf32>,
          %swap3A_191 = arith.index_cast %add3A_163 : i32 to index
          %swap3A_192 = arith.constant 96 : index
          %swap3A_193 = tpu.vector_load %arg7[%swap3A_191, %swap3A_192] {strides = array<i32>} : memref<128x128xf32, #tpu.memory_space<vmem>>, vector<16xf32>,
          tpu.vector_store %arg7[%swap3A_191, %swap3A_192], %gather3A_190 {strides = array<i32>} : memref<128x128xf32, #tpu.memory_space<vmem>>, vector<16xf32>,
          %gather3A_194 = tpu.vector_load_idx %arg5[%add3A_15, %add3A_166] : memref<64x256xf32, #tpu.memory_space<vmem>>[vector<16xi32>, vector<16xi32>], vector<16xf32>,
          %swap3A_195 = arith.index_cast %add3A_163 : i32 to index
          %swap3A_196 = arith.constant 48 : index
          %swap3A_197 = tpu.vector_load %arg7[%swap3A_195, %swap3A_196] {strides = array<i32>} : memref<128x128xf32, #tpu.memory_space<vmem>>, vector<16xf32>,
          tpu.vector_store %arg7[%swap3A_195, %swap3A_196], %gather3A_194 {strides = array<i32>} : memref<128x128xf32, #tpu.memory_space<vmem>>, vector<16xf32>,
          %gather3A_198 = tpu.vector_load_idx %arg5[%add3A_15, %add3A_169] : memref<64x256xf32, #tpu.memory_space<vmem>>[vector<16xi32>, vector<16xi32>], vector<16xf32>,
          %swap3A_199 = arith.index_cast %add3A_163 : i32 to index
          %swap3A_200 = arith.constant 112 : index
          %swap3A_201 = tpu.vector_load %arg7[%swap3A_199, %swap3A_200] {strides = array<i32>} : memref<128x128xf32, #tpu.memory_space<vmem>>, vector<16xf32>,
          tpu.vector_store %arg7[%swap3A_199, %swap3A_200], %gather3A_198 {strides = array<i32>} : memref<128x128xf32, #tpu.memory_space<vmem>>, vector<16xf32>,
          %mul3A_202 = arith.constant 4 : i32
          %mul3A_203 = arith.muli %scan3A_118, %mul3A_202 : i32
          %add3A_204 = arith.constant 2 : i32
          %add3A_205 = arith.addi %mul3A_203, %add3A_204 : i32
          %add3A_206 = arith.constant 4 : i32
          %add3A_207 = vector.broadcast %add3A_206 : i32 to vector<16xi32>
          %add3A_208 = arith.addi %scan3A_119, %add3A_207 : vector<16xi32>
          %add3A_209 = arith.constant 5 : i32
          %add3A_210 = vector.broadcast %add3A_209 : i32 to vector<16xi32>
          %add3A_211 = arith.addi %scan3A_119, %add3A_210 : vector<16xi32>
          %gather3A_212 = tpu.vector_load_idx %arg5[%add3A_3, %add3A_208] : memref<64x256xf32, #tpu.memory_space<vmem>>[vector<16xi32>, vector<16xi32>], vector<16xf32>,
          %swap3A_213 = arith.index_cast %add3A_205 : i32 to index
          %swap3A_214 = arith.constant 0 : index
          %swap3A_215 = tpu.vector_load %arg7[%swap3A_213, %swap3A_214] {strides = array<i32>} : memref<128x128xf32, #tpu.memory_space<vmem>>, vector<16xf32>,
          tpu.vector_store %arg7[%swap3A_213, %swap3A_214], %gather3A_212 {strides = array<i32>} : memref<128x128xf32, #tpu.memory_space<vmem>>, vector<16xf32>,
          %gather3A_216 = tpu.vector_load_idx %arg5[%add3A_3, %add3A_211] : memref<64x256xf32, #tpu.memory_space<vmem>>[vector<16xi32>, vector<16xi32>], vector<16xf32>,
          %swap3A_217 = arith.index_cast %add3A_205 : i32 to index
          %swap3A_218 = arith.constant 64 : index
          %swap3A_219 = tpu.vector_load %arg7[%swap3A_217, %swap3A_218] {strides = array<i32>} : memref<128x128xf32, #tpu.memory_space<vmem>>, vector<16xf32>,
          tpu.vector_store %arg7[%swap3A_217, %swap3A_218], %gather3A_216 {strides = array<i32>} : memref<128x128xf32, #tpu.memory_space<vmem>>, vector<16xf32>,
          %gather3A_220 = tpu.vector_load_idx %arg5[%add3A_7, %add3A_208] : memref<64x256xf32, #tpu.memory_space<vmem>>[vector<16xi32>, vector<16xi32>], vector<16xf32>,
          %swap3A_221 = arith.index_cast %add3A_205 : i32 to index
          %swap3A_222 = arith.constant 16 : index
          %swap3A_223 = tpu.vector_load %arg7[%swap3A_221, %swap3A_222] {strides = array<i32>} : memref<128x128xf32, #tpu.memory_space<vmem>>, vector<16xf32>,
          tpu.vector_store %arg7[%swap3A_221, %swap3A_222], %gather3A_220 {strides = array<i32>} : memref<128x128xf32, #tpu.memory_space<vmem>>, vector<16xf32>,
          %gather3A_224 = tpu.vector_load_idx %arg5[%add3A_7, %add3A_211] : memref<64x256xf32, #tpu.memory_space<vmem>>[vector<16xi32>, vector<16xi32>], vector<16xf32>,
          %swap3A_225 = arith.index_cast %add3A_205 : i32 to index
          %swap3A_226 = arith.constant 80 : index
          %swap3A_227 = tpu.vector_load %arg7[%swap3A_225, %swap3A_226] {strides = array<i32>} : memref<128x128xf32, #tpu.memory_space<vmem>>, vector<16xf32>,
          tpu.vector_store %arg7[%swap3A_225, %swap3A_226], %gather3A_224 {strides = array<i32>} : memref<128x128xf32, #tpu.memory_space<vmem>>, vector<16xf32>,
          %gather3A_228 = tpu.vector_load_idx %arg5[%add3A_11, %add3A_208] : memref<64x256xf32, #tpu.memory_space<vmem>>[vector<16xi32>, vector<16xi32>], vector<16xf32>,
          %swap3A_229 = arith.index_cast %add3A_205 : i32 to index
          %swap3A_230 = arith.constant 32 : index
          %swap3A_231 = tpu.vector_load %arg7[%swap3A_229, %swap3A_230] {strides = array<i32>} : memref<128x128xf32, #tpu.memory_space<vmem>>, vector<16xf32>,
          tpu.vector_store %arg7[%swap3A_229, %swap3A_230], %gather3A_228 {strides = array<i32>} : memref<128x128xf32, #tpu.memory_space<vmem>>, vector<16xf32>,
          %gather3A_232 = tpu.vector_load_idx %arg5[%add3A_11, %add3A_211] : memref<64x256xf32, #tpu.memory_space<vmem>>[vector<16xi32>, vector<16xi32>], vector<16xf32>,
          %swap3A_233 = arith.index_cast %add3A_205 : i32 to index
          %swap3A_234 = arith.constant 96 : index
          %swap3A_235 = tpu.vector_load %arg7[%swap3A_233, %swap3A_234] {strides = array<i32>} : memref<128x128xf32, #tpu.memory_space<vmem>>, vector<16xf32>,
          tpu.vector_store %arg7[%swap3A_233, %swap3A_234], %gather3A_232 {strides = array<i32>} : memref<128x128xf32, #tpu.memory_space<vmem>>, vector<16xf32>,
          %gather3A_236 = tpu.vector_load_idx %arg5[%add3A_15, %add3A_208] : memref<64x256xf32, #tpu.memory_space<vmem>>[vector<16xi32>, vector<16xi32>], vector<16xf32>,
          %swap3A_237 = arith.index_cast %add3A_205 : i32 to index
          %swap3A_238 = arith.constant 48 : index
          %swap3A_239 = tpu.vector_load %arg7[%swap3A_237, %swap3A_238] {strides = array<i32>} : memref<128x128xf32, #tpu.memory_space<vmem>>, vector<16xf32>,
          tpu.vector_store %arg7[%swap3A_237, %swap3A_238], %gather3A_236 {strides = array<i32>} : memref<128x128xf32, #tpu.memory_space<vmem>>, vector<16xf32>,
          %gather3A_240 = tpu.vector_load_idx %arg5[%add3A_15, %add3A_211] : memref<64x256xf32, #tpu.memory_space<vmem>>[vector<16xi32>, vector<16xi32>], vector<16xf32>,
          %swap3A_241 = arith.index_cast %add3A_205 : i32 to index
          %swap3A_242 = arith.constant 112 : index
          %swap3A_243 = tpu.vector_load %arg7[%swap3A_241, %swap3A_242] {strides = array<i32>} : memref<128x128xf32, #tpu.memory_space<vmem>>, vector<16xf32>,
          tpu.vector_store %arg7[%swap3A_241, %swap3A_242], %gather3A_240 {strides = array<i32>} : memref<128x128xf32, #tpu.memory_space<vmem>>, vector<16xf32>,
          %mul3A_244 = arith.constant 4 : i32
          %mul3A_245 = arith.muli %scan3A_118, %mul3A_244 : i32
          %add3A_246 = arith.constant 3 : i32
          %add3A_247 = arith.addi %mul3A_245, %add3A_246 : i32
          %add3A_248 = arith.constant 6 : i32
          %add3A_249 = vector.broadcast %add3A_248 : i32 to vector<16xi32>
          %add3A_250 = arith.addi %scan3A_119, %add3A_249 : vector<16xi32>
          %add3A_251 = arith.constant 7 : i32
          %add3A_252 = vector.broadcast %add3A_251 : i32 to vector<16xi32>
          %add3A_253 = arith.addi %scan3A_119, %add3A_252 : vector<16xi32>
          %gather3A_254 = tpu.vector_load_idx %arg5[%add3A_3, %add3A_250] : memref<64x256xf32, #tpu.memory_space<vmem>>[vector<16xi32>, vector<16xi32>], vector<16xf32>,
          %swap3A_255 = arith.index_cast %add3A_247 : i32 to index
          %swap3A_256 = arith.constant 0 : index
          %swap3A_257 = tpu.vector_load %arg7[%swap3A_255, %swap3A_256] {strides = array<i32>} : memref<128x128xf32, #tpu.memory_space<vmem>>, vector<16xf32>,
          tpu.vector_store %arg7[%swap3A_255, %swap3A_256], %gather3A_254 {strides = array<i32>} : memref<128x128xf32, #tpu.memory_space<vmem>>, vector<16xf32>,
          %gather3A_258 = tpu.vector_load_idx %arg5[%add3A_3, %add3A_253] : memref<64x256xf32, #tpu.memory_space<vmem>>[vector<16xi32>, vector<16xi32>], vector<16xf32>,
          %swap3A_259 = arith.index_cast %add3A_247 : i32 to index
          %swap3A_260 = arith.constant 64 : index
          %swap3A_261 = tpu.vector_load %arg7[%swap3A_259, %swap3A_260] {strides = array<i32>} : memref<128x128xf32, #tpu.memory_space<vmem>>, vector<16xf32>,
          tpu.vector_store %arg7[%swap3A_259, %swap3A_260], %gather3A_258 {strides = array<i32>} : memref<128x128xf32, #tpu.memory_space<vmem>>, vector<16xf32>,
          %gather3A_262 = tpu.vector_load_idx %arg5[%add3A_7, %add3A_250] : memref<64x256xf32, #tpu.memory_space<vmem>>[vector<16xi32>, vector<16xi32>], vector<16xf32>,
          %swap3A_263 = arith.index_cast %add3A_247 : i32 to index
          %swap3A_264 = arith.constant 16 : index
          %swap3A_265 = tpu.vector_load %arg7[%swap3A_263, %swap3A_264] {strides = array<i32>} : memref<128x128xf32, #tpu.memory_space<vmem>>, vector<16xf32>,
          tpu.vector_store %arg7[%swap3A_263, %swap3A_264], %gather3A_262 {strides = array<i32>} : memref<128x128xf32, #tpu.memory_space<vmem>>, vector<16xf32>,
          %gather3A_266 = tpu.vector_load_idx %arg5[%add3A_7, %add3A_253] : memref<64x256xf32, #tpu.memory_space<vmem>>[vector<16xi32>, vector<16xi32>], vector<16xf32>,
          %swap3A_267 = arith.index_cast %add3A_247 : i32 to index
          %swap3A_268 = arith.constant 80 : index
          %swap3A_269 = tpu.vector_load %arg7[%swap3A_267, %swap3A_268] {strides = array<i32>} : memref<128x128xf32, #tpu.memory_space<vmem>>, vector<16xf32>,
          tpu.vector_store %arg7[%swap3A_267, %swap3A_268], %gather3A_266 {strides = array<i32>} : memref<128x128xf32, #tpu.memory_space<vmem>>, vector<16xf32>,
          %gather3A_270 = tpu.vector_load_idx %arg5[%add3A_11, %add3A_250] : memref<64x256xf32, #tpu.memory_space<vmem>>[vector<16xi32>, vector<16xi32>], vector<16xf32>,
          %swap3A_271 = arith.index_cast %add3A_247 : i32 to index
          %swap3A_272 = arith.constant 32 : index
          %swap3A_273 = tpu.vector_load %arg7[%swap3A_271, %swap3A_272] {strides = array<i32>} : memref<128x128xf32, #tpu.memory_space<vmem>>, vector<16xf32>,
          tpu.vector_store %arg7[%swap3A_271, %swap3A_272], %gather3A_270 {strides = array<i32>} : memref<128x128xf32, #tpu.memory_space<vmem>>, vector<16xf32>,
          %gather3A_274 = tpu.vector_load_idx %arg5[%add3A_11, %add3A_253] : memref<64x256xf32, #tpu.memory_space<vmem>>[vector<16xi32>, vector<16xi32>], vector<16xf32>,
          %swap3A_275 = arith.index_cast %add3A_247 : i32 to index
          %swap3A_276 = arith.constant 96 : index
          %swap3A_277 = tpu.vector_load %arg7[%swap3A_275, %swap3A_276] {strides = array<i32>} : memref<128x128xf32, #tpu.memory_space<vmem>>, vector<16xf32>,
          tpu.vector_store %arg7[%swap3A_275, %swap3A_276], %gather3A_274 {strides = array<i32>} : memref<128x128xf32, #tpu.memory_space<vmem>>, vector<16xf32>,
          %gather3A_278 = tpu.vector_load_idx %arg5[%add3A_15, %add3A_250] : memref<64x256xf32, #tpu.memory_space<vmem>>[vector<16xi32>, vector<16xi32>], vector<16xf32>,
          %swap3A_279 = arith.index_cast %add3A_247 : i32 to index
          %swap3A_280 = arith.constant 48 : index
          %swap3A_281 = tpu.vector_load %arg7[%swap3A_279, %swap3A_280] {strides = array<i32>} : memref<128x128xf32, #tpu.memory_space<vmem>>, vector<16xf32>,
          tpu.vector_store %arg7[%swap3A_279, %swap3A_280], %gather3A_278 {strides = array<i32>} : memref<128x128xf32, #tpu.memory_space<vmem>>, vector<16xf32>,
          %gather3A_282 = tpu.vector_load_idx %arg5[%add3A_15, %add3A_253] : memref<64x256xf32, #tpu.memory_space<vmem>>[vector<16xi32>, vector<16xi32>], vector<16xf32>,
          %swap3A_283 = arith.index_cast %add3A_247 : i32 to index
          %swap3A_284 = arith.constant 112 : index
          %swap3A_285 = tpu.vector_load %arg7[%swap3A_283, %swap3A_284] {strides = array<i32>} : memref<128x128xf32, #tpu.memory_space<vmem>>, vector<16xf32>,
          tpu.vector_store %arg7[%swap3A_283, %swap3A_284], %gather3A_282 {strides = array<i32>} : memref<128x128xf32, #tpu.memory_space<vmem>>, vector<16xf32>,
          %add3A_286 = arith.constant 8 : i32
          %add3A_287 = vector.broadcast %add3A_286 : i32 to vector<16xi32>
          %add3A_288 = arith.addi %scan3A_119, %add3A_287 : vector<16xi32>
          scf.yield %add3A_288 : vector<16xi32>
        }
        %scan3A_104 = arith.constant 32 : i32
        %mul3A_105 = arith.constant 128 : i32
        %mul3A_106 = arith.muli %add3A_70, %mul3A_105 : i32
        %dma_start3A_107 = arith.constant 0 : i32
        %dma_start3A_108 = tpu.memref_slice %arg4[%mul3A_106, %dma_start3A_107] : memref<500000x128xf32, #tpu.memory_space<hbm>> -> memref<128x128xf32, #tpu.memory_space<hbm>>
        %dma_start3A_109 = arith.constant 0 : i32
        %dma_start3A_110 = tpu.memref_slice %arg4[%mul3A_106, %dma_start3A_109] : memref<500000x128xf32, #tpu.memory_space<hbm>> -> memref<128x128xf32, #tpu.memory_space<hbm>>
        tpu.enqueue_dma source(%arg7 : memref<128x128xf32, #tpu.memory_space<vmem>>) target(%dma_start3A_110 : memref<128x128xf32, #tpu.memory_space<hbm>>) target_semaphore(%arg11 : memref<!tpu.dma_semaphore, #tpu.memory_space<semaphore_mem>>)
        %add3A_111 = arith.constant 64 : i32
        %add3A_112 = arith.addi %add3A_70, %add3A_111 : i32
        %lt3A_113 = arith.constant 3906 : i32
        %lt3A_114 = arith.cmpi slt, %add3A_112, %lt3A_113 : i32
        %convert_element_type3A_115 = arith.extui %lt3A_114 : i1 to i32
        %cond3A_116 = arith.constant 0 : i32
        %cond3A_117 = arith.cmpi ne, %convert_element_type3A_115, %cond3A_116 : i32
        scf.if %cond3A_117 {
          %mul3A_118 = arith.constant 256 : i32
          %mul3A_119 = arith.muli %add3A_112, %mul3A_118 : i32
          %dma_start3A_120 = arith.constant 0 : i32
          %dma_start3A_121 = tpu.memref_slice %arg2[%dma_start3A_120, %mul3A_119] : memref<64x1000000xf32, #tpu.memory_space<hbm>> -> memref<64x256xf32, #tpu.memory_space<hbm>>
          %dma_start3A_122 = arith.constant 0 : i32
          %dma_start3A_123 = tpu.memref_slice %arg2[%dma_start3A_122, %mul3A_119] : memref<64x1000000xf32, #tpu.memory_space<hbm>> -> memref<64x256xf32, #tpu.memory_space<hbm>>
          tpu.enqueue_dma source(%dma_start3A_123 : memref<64x256xf32, #tpu.memory_space<hbm>>) target(%arg5 : memref<64x256xf32, #tpu.memory_space<vmem>>) target_semaphore(%arg9 : memref<!tpu.dma_semaphore, #tpu.memory_space<semaphore_mem>>)
        } else {
        }
      } else {
      }
      %mul3A_76 = arith.constant 2 : i32
      %mul3A_77 = arith.muli %mul3A_76, %scan3A_63 : i32
      %add3A_78 = arith.constant 1 : i32
      %add3A_79 = arith.addi %mul3A_77, %add3A_78 : i32
      %mul3A_80 = arith.constant 32 : i32
      %mul3A_81 = arith.muli %add3A_79, %mul3A_80 : i32
      %add3A_82 = arith.addi %add3A, %mul3A_81 : i32
      %lt3A_83 = arith.constant 3906 : i32
      %lt3A_84 = arith.cmpi slt, %add3A_82, %lt3A_83 : i32
      %convert_element_type3A_85 = arith.extui %lt3A_84 : i1 to i32
      %cond3A_86 = arith.constant 0 : i32
      %cond3A_87 = arith.cmpi ne, %convert_element_type3A_85, %cond3A_86 : i32
      scf.if %cond3A_87 {
        %dma_wait3A = arith.constant 0 : i32
        %dma_wait3A_88 = arith.constant 0 : i32
        %dma_wait3A_89 = tpu.memref_slice %arg2[%dma_wait3A, %dma_wait3A_88] : memref<64x1000000xf32, #tpu.memory_space<hbm>> -> memref<64x256xf32, #tpu.memory_space<hbm>>
        %dma_wait3A_90 = arith.constant 0 : i32
        %dma_wait3A_91 = arith.constant 0 : i32
        %dma_wait3A_92 = tpu.memref_slice %arg2[%dma_wait3A_90, %dma_wait3A_91] : memref<64x1000000xf32, #tpu.memory_space<hbm>> -> memref<64x256xf32, #tpu.memory_space<hbm>>
        tpu.wait_dma2 semaphore(%arg10 : memref<!tpu.dma_semaphore, #tpu.memory_space<semaphore_mem>>) src(%dma_wait3A_92 : memref<64x256xf32, #tpu.memory_space<hbm>>) dst(%arg6 : memref<64x256xf32, #tpu.memory_space<vmem>>)
        %ge3A_93 = arith.constant 2 : i32
        %ge3A_94 = arith.cmpi sge, %add3A_79, %ge3A_93 : i32
        %convert_element_type3A_95 = arith.extui %ge3A_94 : i1 to i32
        %cond3A_96 = arith.constant 0 : i32
        %cond3A_97 = arith.cmpi ne, %convert_element_type3A_95, %cond3A_96 : i32
        scf.if %cond3A_97 {
          %dma_wait3A_118 = arith.constant 0 : i32
          %dma_wait3A_119 = arith.constant 0 : i32
          %dma_wait3A_120 = tpu.memref_slice %arg4[%dma_wait3A_118, %dma_wait3A_119] : memref<500000x128xf32, #tpu.memory_space<hbm>> -> memref<128x128xf32, #tpu.memory_space<hbm>>
          %dma_wait3A_121 = arith.constant 0 : i32
          %dma_wait3A_122 = arith.constant 0 : i32
          %dma_wait3A_123 = tpu.memref_slice %arg4[%dma_wait3A_121, %dma_wait3A_122] : memref<500000x128xf32, #tpu.memory_space<hbm>> -> memref<128x128xf32, #tpu.memory_space<hbm>>
          tpu.wait_dma2 semaphore(%arg12 : memref<!tpu.dma_semaphore, #tpu.memory_space<semaphore_mem>>) src(%arg8 : memref<128x128xf32, #tpu.memory_space<vmem>>) dst(%dma_wait3A_123 : memref<128x128xf32, #tpu.memory_space<hbm>>)
        } else {
        }
        %broadcast_in_dim3A = arith.constant 0 : i32
        %broadcast_in_dim3A_98 = vector.broadcast %broadcast_in_dim3A : i32 to vector<16xi32>
        %scan3A_99 = arith.constant 0 : i32
        %scan3A_100 = arith.constant 32 : i32
        %scan3A_101 = arith.addi %scan3A_99, %scan3A_100 : i32
        %scan3A_102 = arith.constant 1 : i32
        %scan3A_103 = scf.for %scan3A_118 = %scan3A_99 to %scan3A_101 step %scan3A_102 iter_args(%scan3A_119 = %broadcast_in_dim3A_98) -> (vector<16xi32>)  : i32 {
          %mul3A_120 = arith.constant 4 : i32
          %mul3A_121 = arith.muli %scan3A_118, %mul3A_120 : i32
          %add3A_122 = arith.constant 0 : i32
          %add3A_123 = arith.addi %mul3A_121, %add3A_122 : i32
          %add3A_124 = arith.constant 0 : i32
          %add3A_125 = vector.broadcast %add3A_124 : i32 to vector<16xi32>
          %add3A_126 = arith.addi %scan3A_119, %add3A_125 : vector<16xi32>
          %add3A_127 = arith.constant 1 : i32
          %add3A_128 = vector.broadcast %add3A_127 : i32 to vector<16xi32>
          %add3A_129 = arith.addi %scan3A_119, %add3A_128 : vector<16xi32>
          %gather3A = tpu.vector_load_idx %arg6[%add3A_3, %add3A_126] : memref<64x256xf32, #tpu.memory_space<vmem>>[vector<16xi32>, vector<16xi32>], vector<16xf32>,
          %swap3A = arith.index_cast %add3A_123 : i32 to index
          %swap3A_130 = arith.constant 0 : index
          %swap3A_131 = tpu.vector_load %arg8[%swap3A, %swap3A_130] {strides = array<i32>} : memref<128x128xf32, #tpu.memory_space<vmem>>, vector<16xf32>,
          tpu.vector_store %arg8[%swap3A, %swap3A_130], %gather3A {strides = array<i32>} : memref<128x128xf32, #tpu.memory_space<vmem>>, vector<16xf32>,
          %gather3A_132 = tpu.vector_load_idx %arg6[%add3A_3, %add3A_129] : memref<64x256xf32, #tpu.memory_space<vmem>>[vector<16xi32>, vector<16xi32>], vector<16xf32>,
          %swap3A_133 = arith.index_cast %add3A_123 : i32 to index
          %swap3A_134 = arith.constant 64 : index
          %swap3A_135 = tpu.vector_load %arg8[%swap3A_133, %swap3A_134] {strides = array<i32>} : memref<128x128xf32, #tpu.memory_space<vmem>>, vector<16xf32>,
          tpu.vector_store %arg8[%swap3A_133, %swap3A_134], %gather3A_132 {strides = array<i32>} : memref<128x128xf32, #tpu.memory_space<vmem>>, vector<16xf32>,
          %gather3A_136 = tpu.vector_load_idx %arg6[%add3A_7, %add3A_126] : memref<64x256xf32, #tpu.memory_space<vmem>>[vector<16xi32>, vector<16xi32>], vector<16xf32>,
          %swap3A_137 = arith.index_cast %add3A_123 : i32 to index
          %swap3A_138 = arith.constant 16 : index
          %swap3A_139 = tpu.vector_load %arg8[%swap3A_137, %swap3A_138] {strides = array<i32>} : memref<128x128xf32, #tpu.memory_space<vmem>>, vector<16xf32>,
          tpu.vector_store %arg8[%swap3A_137, %swap3A_138], %gather3A_136 {strides = array<i32>} : memref<128x128xf32, #tpu.memory_space<vmem>>, vector<16xf32>,
          %gather3A_140 = tpu.vector_load_idx %arg6[%add3A_7, %add3A_129] : memref<64x256xf32, #tpu.memory_space<vmem>>[vector<16xi32>, vector<16xi32>], vector<16xf32>,
          %swap3A_141 = arith.index_cast %add3A_123 : i32 to index
          %swap3A_142 = arith.constant 80 : index
          %swap3A_143 = tpu.vector_load %arg8[%swap3A_141, %swap3A_142] {strides = array<i32>} : memref<128x128xf32, #tpu.memory_space<vmem>>, vector<16xf32>,
          tpu.vector_store %arg8[%swap3A_141, %swap3A_142], %gather3A_140 {strides = array<i32>} : memref<128x128xf32, #tpu.memory_space<vmem>>, vector<16xf32>,
          %gather3A_144 = tpu.vector_load_idx %arg6[%add3A_11, %add3A_126] : memref<64x256xf32, #tpu.memory_space<vmem>>[vector<16xi32>, vector<16xi32>], vector<16xf32>,
          %swap3A_145 = arith.index_cast %add3A_123 : i32 to index
          %swap3A_146 = arith.constant 32 : index
          %swap3A_147 = tpu.vector_load %arg8[%swap3A_145, %swap3A_146] {strides = array<i32>} : memref<128x128xf32, #tpu.memory_space<vmem>>, vector<16xf32>,
          tpu.vector_store %arg8[%swap3A_145, %swap3A_146], %gather3A_144 {strides = array<i32>} : memref<128x128xf32, #tpu.memory_space<vmem>>, vector<16xf32>,
          %gather3A_148 = tpu.vector_load_idx %arg6[%add3A_11, %add3A_129] : memref<64x256xf32, #tpu.memory_space<vmem>>[vector<16xi32>, vector<16xi32>], vector<16xf32>,
          %swap3A_149 = arith.index_cast %add3A_123 : i32 to index
          %swap3A_150 = arith.constant 96 : index
          %swap3A_151 = tpu.vector_load %arg8[%swap3A_149, %swap3A_150] {strides = array<i32>} : memref<128x128xf32, #tpu.memory_space<vmem>>, vector<16xf32>,
          tpu.vector_store %arg8[%swap3A_149, %swap3A_150], %gather3A_148 {strides = array<i32>} : memref<128x128xf32, #tpu.memory_space<vmem>>, vector<16xf32>,
          %gather3A_152 = tpu.vector_load_idx %arg6[%add3A_15, %add3A_126] : memref<64x256xf32, #tpu.memory_space<vmem>>[vector<16xi32>, vector<16xi32>], vector<16xf32>,
          %swap3A_153 = arith.index_cast %add3A_123 : i32 to index
          %swap3A_154 = arith.constant 48 : index
          %swap3A_155 = tpu.vector_load %arg8[%swap3A_153, %swap3A_154] {strides = array<i32>} : memref<128x128xf32, #tpu.memory_space<vmem>>, vector<16xf32>,
          tpu.vector_store %arg8[%swap3A_153, %swap3A_154], %gather3A_152 {strides = array<i32>} : memref<128x128xf32, #tpu.memory_space<vmem>>, vector<16xf32>,
          %gather3A_156 = tpu.vector_load_idx %arg6[%add3A_15, %add3A_129] : memref<64x256xf32, #tpu.memory_space<vmem>>[vector<16xi32>, vector<16xi32>], vector<16xf32>,
          %swap3A_157 = arith.index_cast %add3A_123 : i32 to index
          %swap3A_158 = arith.constant 112 : index
          %swap3A_159 = tpu.vector_load %arg8[%swap3A_157, %swap3A_158] {strides = array<i32>} : memref<128x128xf32, #tpu.memory_space<vmem>>, vector<16xf32>,
          tpu.vector_store %arg8[%swap3A_157, %swap3A_158], %gather3A_156 {strides = array<i32>} : memref<128x128xf32, #tpu.memory_space<vmem>>, vector<16xf32>,
          %mul3A_160 = arith.constant 4 : i32
          %mul3A_161 = arith.muli %scan3A_118, %mul3A_160 : i32
          %add3A_162 = arith.constant 1 : i32
          %add3A_163 = arith.addi %mul3A_161, %add3A_162 : i32
          %add3A_164 = arith.constant 2 : i32
          %add3A_165 = vector.broadcast %add3A_164 : i32 to vector<16xi32>
          %add3A_166 = arith.addi %scan3A_119, %add3A_165 : vector<16xi32>
          %add3A_167 = arith.constant 3 : i32
          %add3A_168 = vector.broadcast %add3A_167 : i32 to vector<16xi32>
          %add3A_169 = arith.addi %scan3A_119, %add3A_168 : vector<16xi32>
          %gather3A_170 = tpu.vector_load_idx %arg6[%add3A_3, %add3A_166] : memref<64x256xf32, #tpu.memory_space<vmem>>[vector<16xi32>, vector<16xi32>], vector<16xf32>,
          %swap3A_171 = arith.index_cast %add3A_163 : i32 to index
          %swap3A_172 = arith.constant 0 : index
          %swap3A_173 = tpu.vector_load %arg8[%swap3A_171, %swap3A_172] {strides = array<i32>} : memref<128x128xf32, #tpu.memory_space<vmem>>, vector<16xf32>,
          tpu.vector_store %arg8[%swap3A_171, %swap3A_172], %gather3A_170 {strides = array<i32>} : memref<128x128xf32, #tpu.memory_space<vmem>>, vector<16xf32>,
          %gather3A_174 = tpu.vector_load_idx %arg6[%add3A_3, %add3A_169] : memref<64x256xf32, #tpu.memory_space<vmem>>[vector<16xi32>, vector<16xi32>], vector<16xf32>,
          %swap3A_175 = arith.index_cast %add3A_163 : i32 to index
          %swap3A_176 = arith.constant 64 : index
          %swap3A_177 = tpu.vector_load %arg8[%swap3A_175, %swap3A_176] {strides = array<i32>} : memref<128x128xf32, #tpu.memory_space<vmem>>, vector<16xf32>,
          tpu.vector_store %arg8[%swap3A_175, %swap3A_176], %gather3A_174 {strides = array<i32>} : memref<128x128xf32, #tpu.memory_space<vmem>>, vector<16xf32>,
          %gather3A_178 = tpu.vector_load_idx %arg6[%add3A_7, %add3A_166] : memref<64x256xf32, #tpu.memory_space<vmem>>[vector<16xi32>, vector<16xi32>], vector<16xf32>,
          %swap3A_179 = arith.index_cast %add3A_163 : i32 to index
          %swap3A_180 = arith.constant 16 : index
          %swap3A_181 = tpu.vector_load %arg8[%swap3A_179, %swap3A_180] {strides = array<i32>} : memref<128x128xf32, #tpu.memory_space<vmem>>, vector<16xf32>,
          tpu.vector_store %arg8[%swap3A_179, %swap3A_180], %gather3A_178 {strides = array<i32>} : memref<128x128xf32, #tpu.memory_space<vmem>>, vector<16xf32>,
          %gather3A_182 = tpu.vector_load_idx %arg6[%add3A_7, %add3A_169] : memref<64x256xf32, #tpu.memory_space<vmem>>[vector<16xi32>, vector<16xi32>], vector<16xf32>,
          %swap3A_183 = arith.index_cast %add3A_163 : i32 to index
          %swap3A_184 = arith.constant 80 : index
          %swap3A_185 = tpu.vector_load %arg8[%swap3A_183, %swap3A_184] {strides = array<i32>} : memref<128x128xf32, #tpu.memory_space<vmem>>, vector<16xf32>,
          tpu.vector_store %arg8[%swap3A_183, %swap3A_184], %gather3A_182 {strides = array<i32>} : memref<128x128xf32, #tpu.memory_space<vmem>>, vector<16xf32>,
          %gather3A_186 = tpu.vector_load_idx %arg6[%add3A_11, %add3A_166] : memref<64x256xf32, #tpu.memory_space<vmem>>[vector<16xi32>, vector<16xi32>], vector<16xf32>,
          %swap3A_187 = arith.index_cast %add3A_163 : i32 to index
          %swap3A_188 = arith.constant 32 : index
          %swap3A_189 = tpu.vector_load %arg8[%swap3A_187, %swap3A_188] {strides = array<i32>} : memref<128x128xf32, #tpu.memory_space<vmem>>, vector<16xf32>,
          tpu.vector_store %arg8[%swap3A_187, %swap3A_188], %gather3A_186 {strides = array<i32>} : memref<128x128xf32, #tpu.memory_space<vmem>>, vector<16xf32>,
          %gather3A_190 = tpu.vector_load_idx %arg6[%add3A_11, %add3A_169] : memref<64x256xf32, #tpu.memory_space<vmem>>[vector<16xi32>, vector<16xi32>], vector<16xf32>,
          %swap3A_191 = arith.index_cast %add3A_163 : i32 to index
          %swap3A_192 = arith.constant 96 : index
          %swap3A_193 = tpu.vector_load %arg8[%swap3A_191, %swap3A_192] {strides = array<i32>} : memref<128x128xf32, #tpu.memory_space<vmem>>, vector<16xf32>,
          tpu.vector_store %arg8[%swap3A_191, %swap3A_192], %gather3A_190 {strides = array<i32>} : memref<128x128xf32, #tpu.memory_space<vmem>>, vector<16xf32>,
          %gather3A_194 = tpu.vector_load_idx %arg6[%add3A_15, %add3A_166] : memref<64x256xf32, #tpu.memory_space<vmem>>[vector<16xi32>, vector<16xi32>], vector<16xf32>,
          %swap3A_195 = arith.index_cast %add3A_163 : i32 to index
          %swap3A_196 = arith.constant 48 : index
          %swap3A_197 = tpu.vector_load %arg8[%swap3A_195, %swap3A_196] {strides = array<i32>} : memref<128x128xf32, #tpu.memory_space<vmem>>, vector<16xf32>,
          tpu.vector_store %arg8[%swap3A_195, %swap3A_196], %gather3A_194 {strides = array<i32>} : memref<128x128xf32, #tpu.memory_space<vmem>>, vector<16xf32>,
          %gather3A_198 = tpu.vector_load_idx %arg6[%add3A_15, %add3A_169] : memref<64x256xf32, #tpu.memory_space<vmem>>[vector<16xi32>, vector<16xi32>], vector<16xf32>,
          %swap3A_199 = arith.index_cast %add3A_163 : i32 to index
          %swap3A_200 = arith.constant 112 : index
          %swap3A_201 = tpu.vector_load %arg8[%swap3A_199, %swap3A_200] {strides = array<i32>} : memref<128x128xf32, #tpu.memory_space<vmem>>, vector<16xf32>,
          tpu.vector_store %arg8[%swap3A_199, %swap3A_200], %gather3A_198 {strides = array<i32>} : memref<128x128xf32, #tpu.memory_space<vmem>>, vector<16xf32>,
          %mul3A_202 = arith.constant 4 : i32
          %mul3A_203 = arith.muli %scan3A_118, %mul3A_202 : i32
          %add3A_204 = arith.constant 2 : i32
          %add3A_205 = arith.addi %mul3A_203, %add3A_204 : i32
          %add3A_206 = arith.constant 4 : i32
          %add3A_207 = vector.broadcast %add3A_206 : i32 to vector<16xi32>
          %add3A_208 = arith.addi %scan3A_119, %add3A_207 : vector<16xi32>
          %add3A_209 = arith.constant 5 : i32
          %add3A_210 = vector.broadcast %add3A_209 : i32 to vector<16xi32>
          %add3A_211 = arith.addi %scan3A_119, %add3A_210 : vector<16xi32>
          %gather3A_212 = tpu.vector_load_idx %arg6[%add3A_3, %add3A_208] : memref<64x256xf32, #tpu.memory_space<vmem>>[vector<16xi32>, vector<16xi32>], vector<16xf32>,
          %swap3A_213 = arith.index_cast %add3A_205 : i32 to index
          %swap3A_214 = arith.constant 0 : index
          %swap3A_215 = tpu.vector_load %arg8[%swap3A_213, %swap3A_214] {strides = array<i32>} : memref<128x128xf32, #tpu.memory_space<vmem>>, vector<16xf32>,
          tpu.vector_store %arg8[%swap3A_213, %swap3A_214], %gather3A_212 {strides = array<i32>} : memref<128x128xf32, #tpu.memory_space<vmem>>, vector<16xf32>,
          %gather3A_216 = tpu.vector_load_idx %arg6[%add3A_3, %add3A_211] : memref<64x256xf32, #tpu.memory_space<vmem>>[vector<16xi32>, vector<16xi32>], vector<16xf32>,
          %swap3A_217 = arith.index_cast %add3A_205 : i32 to index
          %swap3A_218 = arith.constant 64 : index
          %swap3A_219 = tpu.vector_load %arg8[%swap3A_217, %swap3A_218] {strides = array<i32>} : memref<128x128xf32, #tpu.memory_space<vmem>>, vector<16xf32>,
          tpu.vector_store %arg8[%swap3A_217, %swap3A_218], %gather3A_216 {strides = array<i32>} : memref<128x128xf32, #tpu.memory_space<vmem>>, vector<16xf32>,
          %gather3A_220 = tpu.vector_load_idx %arg6[%add3A_7, %add3A_208] : memref<64x256xf32, #tpu.memory_space<vmem>>[vector<16xi32>, vector<16xi32>], vector<16xf32>,
          %swap3A_221 = arith.index_cast %add3A_205 : i32 to index
          %swap3A_222 = arith.constant 16 : index
          %swap3A_223 = tpu.vector_load %arg8[%swap3A_221, %swap3A_222] {strides = array<i32>} : memref<128x128xf32, #tpu.memory_space<vmem>>, vector<16xf32>,
          tpu.vector_store %arg8[%swap3A_221, %swap3A_222], %gather3A_220 {strides = array<i32>} : memref<128x128xf32, #tpu.memory_space<vmem>>, vector<16xf32>,
          %gather3A_224 = tpu.vector_load_idx %arg6[%add3A_7, %add3A_211] : memref<64x256xf32, #tpu.memory_space<vmem>>[vector<16xi32>, vector<16xi32>], vector<16xf32>,
          %swap3A_225 = arith.index_cast %add3A_205 : i32 to index
          %swap3A_226 = arith.constant 80 : index
          %swap3A_227 = tpu.vector_load %arg8[%swap3A_225, %swap3A_226] {strides = array<i32>} : memref<128x128xf32, #tpu.memory_space<vmem>>, vector<16xf32>,
          tpu.vector_store %arg8[%swap3A_225, %swap3A_226], %gather3A_224 {strides = array<i32>} : memref<128x128xf32, #tpu.memory_space<vmem>>, vector<16xf32>,
          %gather3A_228 = tpu.vector_load_idx %arg6[%add3A_11, %add3A_208] : memref<64x256xf32, #tpu.memory_space<vmem>>[vector<16xi32>, vector<16xi32>], vector<16xf32>,
          %swap3A_229 = arith.index_cast %add3A_205 : i32 to index
          %swap3A_230 = arith.constant 32 : index
          %swap3A_231 = tpu.vector_load %arg8[%swap3A_229, %swap3A_230] {strides = array<i32>} : memref<128x128xf32, #tpu.memory_space<vmem>>, vector<16xf32>,
          tpu.vector_store %arg8[%swap3A_229, %swap3A_230], %gather3A_228 {strides = array<i32>} : memref<128x128xf32, #tpu.memory_space<vmem>>, vector<16xf32>,
          %gather3A_232 = tpu.vector_load_idx %arg6[%add3A_11, %add3A_211] : memref<64x256xf32, #tpu.memory_space<vmem>>[vector<16xi32>, vector<16xi32>], vector<16xf32>,
          %swap3A_233 = arith.index_cast %add3A_205 : i32 to index
          %swap3A_234 = arith.constant 96 : index
          %swap3A_235 = tpu.vector_load %arg8[%swap3A_233, %swap3A_234] {strides = array<i32>} : memref<128x128xf32, #tpu.memory_space<vmem>>, vector<16xf32>,
          tpu.vector_store %arg8[%swap3A_233, %swap3A_234], %gather3A_232 {strides = array<i32>} : memref<128x128xf32, #tpu.memory_space<vmem>>, vector<16xf32>,
          %gather3A_236 = tpu.vector_load_idx %arg6[%add3A_15, %add3A_208] : memref<64x256xf32, #tpu.memory_space<vmem>>[vector<16xi32>, vector<16xi32>], vector<16xf32>,
          %swap3A_237 = arith.index_cast %add3A_205 : i32 to index
          %swap3A_238 = arith.constant 48 : index
          %swap3A_239 = tpu.vector_load %arg8[%swap3A_237, %swap3A_238] {strides = array<i32>} : memref<128x128xf32, #tpu.memory_space<vmem>>, vector<16xf32>,
          tpu.vector_store %arg8[%swap3A_237, %swap3A_238], %gather3A_236 {strides = array<i32>} : memref<128x128xf32, #tpu.memory_space<vmem>>, vector<16xf32>,
          %gather3A_240 = tpu.vector_load_idx %arg6[%add3A_15, %add3A_211] : memref<64x256xf32, #tpu.memory_space<vmem>>[vector<16xi32>, vector<16xi32>], vector<16xf32>,
          %swap3A_241 = arith.index_cast %add3A_205 : i32 to index
          %swap3A_242 = arith.constant 112 : index
          %swap3A_243 = tpu.vector_load %arg8[%swap3A_241, %swap3A_242] {strides = array<i32>} : memref<128x128xf32, #tpu.memory_space<vmem>>, vector<16xf32>,
          tpu.vector_store %arg8[%swap3A_241, %swap3A_242], %gather3A_240 {strides = array<i32>} : memref<128x128xf32, #tpu.memory_space<vmem>>, vector<16xf32>,
          %mul3A_244 = arith.constant 4 : i32
          %mul3A_245 = arith.muli %scan3A_118, %mul3A_244 : i32
          %add3A_246 = arith.constant 3 : i32
          %add3A_247 = arith.addi %mul3A_245, %add3A_246 : i32
          %add3A_248 = arith.constant 6 : i32
          %add3A_249 = vector.broadcast %add3A_248 : i32 to vector<16xi32>
          %add3A_250 = arith.addi %scan3A_119, %add3A_249 : vector<16xi32>
          %add3A_251 = arith.constant 7 : i32
          %add3A_252 = vector.broadcast %add3A_251 : i32 to vector<16xi32>
          %add3A_253 = arith.addi %scan3A_119, %add3A_252 : vector<16xi32>
          %gather3A_254 = tpu.vector_load_idx %arg6[%add3A_3, %add3A_250] : memref<64x256xf32, #tpu.memory_space<vmem>>[vector<16xi32>, vector<16xi32>], vector<16xf32>,
          %swap3A_255 = arith.index_cast %add3A_247 : i32 to index
          %swap3A_256 = arith.constant 0 : index
          %swap3A_257 = tpu.vector_load %arg8[%swap3A_255, %swap3A_256] {strides = array<i32>} : memref<128x128xf32, #tpu.memory_space<vmem>>, vector<16xf32>,
          tpu.vector_store %arg8[%swap3A_255, %swap3A_256], %gather3A_254 {strides = array<i32>} : memref<128x128xf32, #tpu.memory_space<vmem>>, vector<16xf32>,
          %gather3A_258 = tpu.vector_load_idx %arg6[%add3A_3, %add3A_253] : memref<64x256xf32, #tpu.memory_space<vmem>>[vector<16xi32>, vector<16xi32>], vector<16xf32>,
          %swap3A_259 = arith.index_cast %add3A_247 : i32 to index
          %swap3A_260 = arith.constant 64 : index
          %swap3A_261 = tpu.vector_load %arg8[%swap3A_259, %swap3A_260] {strides = array<i32>} : memref<128x128xf32, #tpu.memory_space<vmem>>, vector<16xf32>,
          tpu.vector_store %arg8[%swap3A_259, %swap3A_260], %gather3A_258 {strides = array<i32>} : memref<128x128xf32, #tpu.memory_space<vmem>>, vector<16xf32>,
          %gather3A_262 = tpu.vector_load_idx %arg6[%add3A_7, %add3A_250] : memref<64x256xf32, #tpu.memory_space<vmem>>[vector<16xi32>, vector<16xi32>], vector<16xf32>,
          %swap3A_263 = arith.index_cast %add3A_247 : i32 to index
          %swap3A_264 = arith.constant 16 : index
          %swap3A_265 = tpu.vector_load %arg8[%swap3A_263, %swap3A_264] {strides = array<i32>} : memref<128x128xf32, #tpu.memory_space<vmem>>, vector<16xf32>,
          tpu.vector_store %arg8[%swap3A_263, %swap3A_264], %gather3A_262 {strides = array<i32>} : memref<128x128xf32, #tpu.memory_space<vmem>>, vector<16xf32>,
          %gather3A_266 = tpu.vector_load_idx %arg6[%add3A_7, %add3A_253] : memref<64x256xf32, #tpu.memory_space<vmem>>[vector<16xi32>, vector<16xi32>], vector<16xf32>,
          %swap3A_267 = arith.index_cast %add3A_247 : i32 to index
          %swap3A_268 = arith.constant 80 : index
          %swap3A_269 = tpu.vector_load %arg8[%swap3A_267, %swap3A_268] {strides = array<i32>} : memref<128x128xf32, #tpu.memory_space<vmem>>, vector<16xf32>,
          tpu.vector_store %arg8[%swap3A_267, %swap3A_268], %gather3A_266 {strides = array<i32>} : memref<128x128xf32, #tpu.memory_space<vmem>>, vector<16xf32>,
          %gather3A_270 = tpu.vector_load_idx %arg6[%add3A_11, %add3A_250] : memref<64x256xf32, #tpu.memory_space<vmem>>[vector<16xi32>, vector<16xi32>], vector<16xf32>,
          %swap3A_271 = arith.index_cast %add3A_247 : i32 to index
          %swap3A_272 = arith.constant 32 : index
          %swap3A_273 = tpu.vector_load %arg8[%swap3A_271, %swap3A_272] {strides = array<i32>} : memref<128x128xf32, #tpu.memory_space<vmem>>, vector<16xf32>,
          tpu.vector_store %arg8[%swap3A_271, %swap3A_272], %gather3A_270 {strides = array<i32>} : memref<128x128xf32, #tpu.memory_space<vmem>>, vector<16xf32>,
          %gather3A_274 = tpu.vector_load_idx %arg6[%add3A_11, %add3A_253] : memref<64x256xf32, #tpu.memory_space<vmem>>[vector<16xi32>, vector<16xi32>], vector<16xf32>,
          %swap3A_275 = arith.index_cast %add3A_247 : i32 to index
          %swap3A_276 = arith.constant 96 : index
          %swap3A_277 = tpu.vector_load %arg8[%swap3A_275, %swap3A_276] {strides = array<i32>} : memref<128x128xf32, #tpu.memory_space<vmem>>, vector<16xf32>,
          tpu.vector_store %arg8[%swap3A_275, %swap3A_276], %gather3A_274 {strides = array<i32>} : memref<128x128xf32, #tpu.memory_space<vmem>>, vector<16xf32>,
          %gather3A_278 = tpu.vector_load_idx %arg6[%add3A_15, %add3A_250] : memref<64x256xf32, #tpu.memory_space<vmem>>[vector<16xi32>, vector<16xi32>], vector<16xf32>,
          %swap3A_279 = arith.index_cast %add3A_247 : i32 to index
          %swap3A_280 = arith.constant 48 : index
          %swap3A_281 = tpu.vector_load %arg8[%swap3A_279, %swap3A_280] {strides = array<i32>} : memref<128x128xf32, #tpu.memory_space<vmem>>, vector<16xf32>,
          tpu.vector_store %arg8[%swap3A_279, %swap3A_280], %gather3A_278 {strides = array<i32>} : memref<128x128xf32, #tpu.memory_space<vmem>>, vector<16xf32>,
          %gather3A_282 = tpu.vector_load_idx %arg6[%add3A_15, %add3A_253] : memref<64x256xf32, #tpu.memory_space<vmem>>[vector<16xi32>, vector<16xi32>], vector<16xf32>,
          %swap3A_283 = arith.index_cast %add3A_247 : i32 to index
          %swap3A_284 = arith.constant 112 : index
          %swap3A_285 = tpu.vector_load %arg8[%swap3A_283, %swap3A_284] {strides = array<i32>} : memref<128x128xf32, #tpu.memory_space<vmem>>, vector<16xf32>,
          tpu.vector_store %arg8[%swap3A_283, %swap3A_284], %gather3A_282 {strides = array<i32>} : memref<128x128xf32, #tpu.memory_space<vmem>>, vector<16xf32>,
          %add3A_286 = arith.constant 8 : i32
          %add3A_287 = vector.broadcast %add3A_286 : i32 to vector<16xi32>
          %add3A_288 = arith.addi %scan3A_119, %add3A_287 : vector<16xi32>
          scf.yield %add3A_288 : vector<16xi32>
        }
        %scan3A_104 = arith.constant 32 : i32
        %mul3A_105 = arith.constant 128 : i32
        %mul3A_106 = arith.muli %add3A_82, %mul3A_105 : i32
        %dma_start3A_107 = arith.constant 0 : i32
        %dma_start3A_108 = tpu.memref_slice %arg4[%mul3A_106, %dma_start3A_107] : memref<500000x128xf32, #tpu.memory_space<hbm>> -> memref<128x128xf32, #tpu.memory_space<hbm>>
        %dma_start3A_109 = arith.constant 0 : i32
        %dma_start3A_110 = tpu.memref_slice %arg4[%mul3A_106, %dma_start3A_109] : memref<500000x128xf32, #tpu.memory_space<hbm>> -> memref<128x128xf32, #tpu.memory_space<hbm>>
        tpu.enqueue_dma source(%arg8 : memref<128x128xf32, #tpu.memory_space<vmem>>) target(%dma_start3A_110 : memref<128x128xf32, #tpu.memory_space<hbm>>) target_semaphore(%arg12 : memref<!tpu.dma_semaphore, #tpu.memory_space<semaphore_mem>>)
        %add3A_111 = arith.constant 64 : i32
        %add3A_112 = arith.addi %add3A_82, %add3A_111 : i32
        %lt3A_113 = arith.constant 3906 : i32
        %lt3A_114 = arith.cmpi slt, %add3A_112, %lt3A_113 : i32
        %convert_element_type3A_115 = arith.extui %lt3A_114 : i1 to i32
        %cond3A_116 = arith.constant 0 : i32
        %cond3A_117 = arith.cmpi ne, %convert_element_type3A_115, %cond3A_116 : i32
        scf.if %cond3A_117 {
          %mul3A_118 = arith.constant 256 : i32
          %mul3A_119 = arith.muli %add3A_112, %mul3A_118 : i32
          %dma_start3A_120 = arith.constant 0 : i32
          %dma_start3A_121 = tpu.memref_slice %arg2[%dma_start3A_120, %mul3A_119] : memref<64x1000000xf32, #tpu.memory_space<hbm>> -> memref<64x256xf32, #tpu.memory_space<hbm>>
          %dma_start3A_122 = arith.constant 0 : i32
          %dma_start3A_123 = tpu.memref_slice %arg2[%dma_start3A_122, %mul3A_119] : memref<64x1000000xf32, #tpu.memory_space<hbm>> -> memref<64x256xf32, #tpu.memory_space<hbm>>
          tpu.enqueue_dma source(%dma_start3A_123 : memref<64x256xf32, #tpu.memory_space<hbm>>) target(%arg6 : memref<64x256xf32, #tpu.memory_space<vmem>>) target_semaphore(%arg10 : memref<!tpu.dma_semaphore, #tpu.memory_space<semaphore_mem>>)
        } else {
        }
      } else {
      }
    }
    %scan3A_29 = arith.constant 62 : i32
    %sub3A = arith.constant 3906 : i32
    %sub3A_30 = arith.subi %sub3A, %add3A : i32
    %add3A_31 = arith.constant 31 : i32
    %add3A_32 = arith.addi %sub3A_30, %add3A_31 : i32
    %jit3A = arith.constant 32 : i32
    %div3A = arith.divsi %add3A_32, %jit3A : i32
    %sign3A = arith.constant 0 : i32
    %sign3A_33 = arith.cmpi sgt, %add3A_32, %sign3A : i32
    %sign3A_34 = arith.extui %sign3A_33 : i1 to i32
    %sign3A_35 = arith.constant 0 : i32
    %sign3A_36 = arith.cmpi slt, %add3A_32, %sign3A_35 : i32
    %sign3A_37 = arith.extui %sign3A_36 : i1 to i32
    %sign3A_38 = arith.subi %sign3A_34, %sign3A_37 : i32
    %sign3A_39 = arith.constant 0 : i32
    %sign3A_40 = arith.cmpi sgt, %jit3A, %sign3A_39 : i32
    %sign3A_41 = arith.extui %sign3A_40 : i1 to i32
    %sign3A_42 = arith.constant 0 : i32
    %sign3A_43 = arith.cmpi slt, %jit3A, %sign3A_42 : i32
    %sign3A_44 = arith.extui %sign3A_43 : i1 to i32
    %sign3A_45 = arith.subi %sign3A_41, %sign3A_44 : i32
    %ne3A = arith.cmpi ne, %sign3A_38, %sign3A_45 : i32
    %rem3A = arith.remsi %add3A_32, %jit3A : i32
    %ne3A_46 = arith.constant 0 : i32
    %ne3A_47 = arith.cmpi ne, %rem3A, %ne3A_46 : i32
    %and3A = arith.andi %ne3A, %ne3A_47 : i1
    %sub3A_48 = arith.constant 1 : i32
    %sub3A_49 = arith.subi %div3A, %sub3A_48 : i32
    %select_n3A = arith.select %and3A, %sub3A_49, %div3A : i32
    %ge3A = arith.constant 1 : i32
    %ge3A_50 = arith.cmpi sge, %select_n3A, %ge3A : i32
    %convert_element_type3A_51 = arith.extui %ge3A_50 : i1 to i32
    %cond3A_52 = arith.constant 0 : i32
    %cond3A_53 = arith.cmpi ne, %convert_element_type3A_51, %cond3A_52 : i32
    scf.if %cond3A_53 {
      %dma_wait3A = arith.constant 0 : i32
      %dma_wait3A_63 = arith.constant 0 : i32
      %dma_wait3A_64 = tpu.memref_slice %arg4[%dma_wait3A, %dma_wait3A_63] : memref<500000x128xf32, #tpu.memory_space<hbm>> -> memref<128x128xf32, #tpu.memory_space<hbm>>
      %dma_wait3A_65 = arith.constant 0 : i32
      %dma_wait3A_66 = arith.constant 0 : i32
      %dma_wait3A_67 = tpu.memref_slice %arg4[%dma_wait3A_65, %dma_wait3A_66] : memref<500000x128xf32, #tpu.memory_space<hbm>> -> memref<128x128xf32, #tpu.memory_space<hbm>>
      tpu.wait_dma2 semaphore(%arg11 : memref<!tpu.dma_semaphore, #tpu.memory_space<semaphore_mem>>) src(%arg7 : memref<128x128xf32, #tpu.memory_space<vmem>>) dst(%dma_wait3A_67 : memref<128x128xf32, #tpu.memory_space<hbm>>)
    } else {
    }
    %ge3A_54 = arith.constant 2 : i32
    %ge3A_55 = arith.cmpi sge, %select_n3A, %ge3A_54 : i32
    %convert_element_type3A_56 = arith.extui %ge3A_55 : i1 to i32
    %cond3A_57 = arith.constant 0 : i32
    %cond3A_58 = arith.cmpi ne, %convert_element_type3A_56, %cond3A_57 : i32
    scf.if %cond3A_58 {
      %dma_wait3A = arith.constant 0 : i32
      %dma_wait3A_63 = arith.constant 0 : i32
      %dma_wait3A_64 = tpu.memref_slice %arg4[%dma_wait3A, %dma_wait3A_63] : memref<500000x128xf32, #tpu.memory_space<hbm>> -> memref<128x128xf32, #tpu.memory_space<hbm>>
      %dma_wait3A_65 = arith.constant 0 : i32
      %dma_wait3A_66 = arith.constant 0 : i32
      %dma_wait3A_67 = tpu.memref_slice %arg4[%dma_wait3A_65, %dma_wait3A_66] : memref<500000x128xf32, #tpu.memory_space<hbm>> -> memref<128x128xf32, #tpu.memory_space<hbm>>
      tpu.wait_dma2 semaphore(%arg12 : memref<!tpu.dma_semaphore, #tpu.memory_space<semaphore_mem>>) src(%arg8 : memref<128x128xf32, #tpu.memory_space<vmem>>) dst(%dma_wait3A_67 : memref<128x128xf32, #tpu.memory_space<hbm>>)
    } else {
    }
    %eq3A = arith.constant 0 : i32
    %eq3A_59 = arith.cmpi eq, %add3A, %eq3A : i32
    %convert_element_type3A_60 = arith.extui %eq3A_59 : i1 to i32
    %cond3A_61 = arith.constant 0 : i32
    %cond3A_62 = arith.cmpi ne, %convert_element_type3A_60, %cond3A_61 : i32
    scf.if %cond3A_62 {
      "tpu.region"() ({
        %run_scoped3A = tpu.sem_alloc : memref<!tpu.dma_semaphore, #tpu.memory_space<semaphore_mem>>
        %dma_start3A_63 = arith.constant 0 : i32
        %dma_start3A_64 = arith.constant 0 : i32
        %dma_start3A_65 = tpu.memref_slice %arg7[%dma_start3A_63, %dma_start3A_64] : memref<128x128xf32, #tpu.memory_space<vmem>> -> memref<32x128xf32, #tpu.memory_space<vmem>>
        %dma_start3A_66 = arith.constant 0 : i32
        %dma_start3A_67 = arith.constant 0 : i32
        %dma_start3A_68 = tpu.memref_slice %arg7[%dma_start3A_66, %dma_start3A_67] : memref<128x128xf32, #tpu.memory_space<vmem>> -> memref<32x128xf32, #tpu.memory_space<vmem>>
        tpu.enqueue_dma source(%arg3 : memref<32x128xf32, #tpu.memory_space<hbm>>) target(%dma_start3A_68 : memref<32x128xf32, #tpu.memory_space<vmem>>) target_semaphore(%run_scoped3A : memref<!tpu.dma_semaphore, #tpu.memory_space<semaphore_mem>>)
        %dma_wait3A = arith.constant 0 : i32
        %dma_wait3A_69 = arith.constant 0 : i32
        %dma_wait3A_70 = tpu.memref_slice %arg7[%dma_wait3A, %dma_wait3A_69] : memref<128x128xf32, #tpu.memory_space<vmem>> -> memref<32x128xf32, #tpu.memory_space<vmem>>
        %dma_wait3A_71 = arith.constant 0 : i32
        %dma_wait3A_72 = arith.constant 0 : i32
        %dma_wait3A_73 = tpu.memref_slice %arg7[%dma_wait3A_71, %dma_wait3A_72] : memref<128x128xf32, #tpu.memory_space<vmem>> -> memref<32x128xf32, #tpu.memory_space<vmem>>
        tpu.wait_dma2 semaphore(%run_scoped3A : memref<!tpu.dma_semaphore, #tpu.memory_space<semaphore_mem>>) src(%arg3 : memref<32x128xf32, #tpu.memory_space<hbm>>) dst(%dma_wait3A_73 : memref<32x128xf32, #tpu.memory_space<vmem>>)
        tpu.yield
      }) : () -> ()
      "tpu.region"() ({
        %run_scoped3A = tpu.sem_alloc : memref<!tpu.dma_semaphore, #tpu.memory_space<semaphore_mem>>
        %dma_start3A_63 = arith.constant 0 : i32
        %dma_start3A_64 = arith.constant 0 : i32
        %dma_start3A_65 = tpu.memref_slice %arg7[%dma_start3A_63, %dma_start3A_64] : memref<128x128xf32, #tpu.memory_space<vmem>> -> memref<32x128xf32, #tpu.memory_space<vmem>>
        %dma_start3A_66 = arith.constant 499968 : i32
        %dma_start3A_67 = arith.constant 0 : i32
        %dma_start3A_68 = tpu.memref_slice %arg4[%dma_start3A_66, %dma_start3A_67] : memref<500000x128xf32, #tpu.memory_space<hbm>> -> memref<32x128xf32, #tpu.memory_space<hbm>>
        %dma_start3A_69 = arith.constant 499968 : i32
        %dma_start3A_70 = arith.constant 0 : i32
        %dma_start3A_71 = tpu.memref_slice %arg4[%dma_start3A_69, %dma_start3A_70] : memref<500000x128xf32, #tpu.memory_space<hbm>> -> memref<32x128xf32, #tpu.memory_space<hbm>>
        %dma_start3A_72 = arith.constant 0 : i32
        %dma_start3A_73 = arith.constant 0 : i32
        %dma_start3A_74 = tpu.memref_slice %arg7[%dma_start3A_72, %dma_start3A_73] : memref<128x128xf32, #tpu.memory_space<vmem>> -> memref<32x128xf32, #tpu.memory_space<vmem>>
        tpu.enqueue_dma source(%dma_start3A_74 : memref<32x128xf32, #tpu.memory_space<vmem>>) target(%dma_start3A_71 : memref<32x128xf32, #tpu.memory_space<hbm>>) target_semaphore(%run_scoped3A : memref<!tpu.dma_semaphore, #tpu.memory_space<semaphore_mem>>)
        %dma_wait3A = arith.constant 0 : i32
        %dma_wait3A_75 = arith.constant 0 : i32
        %dma_wait3A_76 = tpu.memref_slice %arg7[%dma_wait3A, %dma_wait3A_75] : memref<128x128xf32, #tpu.memory_space<vmem>> -> memref<32x128xf32, #tpu.memory_space<vmem>>
        %dma_wait3A_77 = arith.constant 499968 : i32
        %dma_wait3A_78 = arith.constant 0 : i32
        %dma_wait3A_79 = tpu.memref_slice %arg4[%dma_wait3A_77, %dma_wait3A_78] : memref<500000x128xf32, #tpu.memory_space<hbm>> -> memref<32x128xf32, #tpu.memory_space<hbm>>
        %dma_wait3A_80 = arith.constant 499968 : i32
        %dma_wait3A_81 = arith.constant 0 : i32
        %dma_wait3A_82 = tpu.memref_slice %arg4[%dma_wait3A_80, %dma_wait3A_81] : memref<500000x128xf32, #tpu.memory_space<hbm>> -> memref<32x128xf32, #tpu.memory_space<hbm>>
        %dma_wait3A_83 = arith.constant 0 : i32
        %dma_wait3A_84 = arith.constant 0 : i32
        %dma_wait3A_85 = tpu.memref_slice %arg7[%dma_wait3A_83, %dma_wait3A_84] : memref<128x128xf32, #tpu.memory_space<vmem>> -> memref<32x128xf32, #tpu.memory_space<vmem>>
        tpu.wait_dma2 semaphore(%run_scoped3A : memref<!tpu.dma_semaphore, #tpu.memory_space<semaphore_mem>>) src(%dma_wait3A_85 : memref<32x128xf32, #tpu.memory_space<vmem>>) dst(%dma_wait3A_82 : memref<32x128xf32, #tpu.memory_space<hbm>>)
        tpu.yield
      }) : () -> ()
    } else {
    }
    return
  }
}

</mosaic_0001>

<sc_bundles>
// kernel: kernel.4.cloned.1.call-start
scs
__scs_entry_jumppad:
0x0: {  	(pc) =	sbr.rel $0x88, $3  }
0x1: {  	(tag) =	ssettag $0x0;
	lr =	simm.s32 $0x1  }
0x2: {  	[smem:$0x3F9F] =	sst lr;
	_ =	strace $0xD0000000  }
0x3: {  	_ = 	snop  }
0x4: {  	_ = 	snop  }
0x5: {  	_ = 	snop  }
0x6: {  	_ = 	snop  }
0x7: {  	_ = 	snop  }
__scs_overlays_trampoline_lowered:
0x8: {  	[smem:$0x3FAE] =	sst s0  }
0x9: {  	[smem:$0x3FAF] =	sst s1  }
0xa: {  	[smem:$0x3FB0] =	sst s2  }
0xb: {  	[smem:$0x3FB1] =	sst s3  }
0xc: {  	[smem:$0x3FB2] =	sst s4  }
0xd: {  	[smem:$0x3FB3] =	sst s5  }
0xe: {  	[smem:$0x3FB4] =	sst s6  }
0xf: {  	[smem:$0x3FB5] =	sst s7  }
0x10: {  	[smem:$0x3FB6] =	sst s8  }
0x11: {  	[smem:$0x3FB7] =	sst s9;
	s0 =	simm.s32 @!p0 $0x0  }
0x12: {  	s1 =	sld [smem:$0x3F9D];
	s0 =	simm.s32 @p0 $0x1  }
0x13: {  	[smem:$0x3FB8] =	sst s0;
	s0 =	simm.s32 @!p1 $0x0  }
0x14: {  	s2 =	sld [smem:$0x3F9C];
	s0 =	simm.s32 @p1 $0x1  }
0x15: {  	[smem:$0x3FB9] =	sst s0;
	s0 =	simm.s32 @!p2 $0x0  }
0x16: {  	s3 =	sld [smem:$0x3FDB];
	s0 =	simm.s32 @p2 $0x1  }
0x17: {  	s4 =	simm.s32 $0x1BF5;
	[smem:$0x3FBB] =	sst s0  }
0x18: {  	s0 =	sld [smem:$0x3F9E];
	_ =	swait.ge [sflag:s4], $0x0  }
0x19: {  	s7 =	sld [smem:$0x3F9F]  }
0x1a: {  	s8 =	sadd.s32 $0xFFFFE003, lr  }
0x1b: {  	s9 =	sadd.s32 $0xFFFFFEF7, lr;
	s5 =	simm.s32 $0xFFFFFFFF;
	p2 =	slt.u32 s8, $0xFFFFF086  }
0x1c: {  	p1 =	slt.u32 s9, $0xF7A;
	s5 =	simm.s32 @!p2 $0x0  }
0x1d: {  	s5 =	simm.s32 @p1 $0x1;
	p0 =	seq.s32 s7, s2  }
0x1e: {  	s7 =	smul.u32 @!p0 $0xF7A, s2;
	p2 =	seq.s32 @!p0 s5, $0x0  }
0x1f: {  	s9 =	smul.u32 $0xF7A, s1;
	s8 =	simm.s32 @!p0 $0x1BF5;
	p2 =	por !p2, p0  }
0x20: {  	[sflag:s8] =	ssyncset.s32 @!p0 $0xFFFFF086;
	s6 =	sadd.s32 @!p0 s3, s7;
	s7 =	simm.s32 @!p0 $0x108  }
0x21: {  	s3 =	sadd.s32 s3, s9;
	s6 =	sadd.s32 @!p0 $0x88, s6;
	s7 =	simm.s32 @p2 $0x1082  }
0x22: {  	[simem:s7], [sflag:s8] =	dma.local @!p0 [hbm:s6], $0xF7A  }
0x23: {  	s9 =	sor.u32 $0xD0000000, s2;
	s6 =	simm.s32 $0x108;
	_ =	swait.ge @!p0 [sflag:s8], $0x0  }
0x24: {  	s3 =	sadd.s32 $0x88, s3;
	s6 =	simm.s32 @!p1 $0x1082;
	[sflag:s4] =	ssyncset.s32 $0xFFFFF086  }
0x25: {  	[simem:s6], [sflag:s4] =	dma.local [hbm:s3], $0xF7A  }
0x26: {  	[smem:$0x3F9F] =	sst s1;
	(tag) =	ssettag s2;
	_ =	strace s9  }
0x27: {  	s1 =	sld [smem:$0x3FAF]  }
0x28: {  	s2 =	sld [smem:$0x3FB0]  }
0x29: {  	s4 =	sld [smem:$0x3FB2]  }
0x2a: {  	p0 =	seq.s32 s5, $0x0;
	s5 =	sld [smem:$0x3FB3]  }
0x2b: {  	s6 =	sld [smem:$0x3FB4]  }
0x2c: {  	s7 =	sld [smem:$0x3FB5]  }
0x2d: {  	s3 =	simm.s32 $0x108;
	s8 =	sld [smem:$0x3FB6]  }
0x2e: {  	s3 =	simm.s32 @!p0 $0x1082;
	s9 =	sld [smem:$0x3FB7]  }
0x2f: {  	lr =	sadd.s32 s0, s3;
	s0 =	sld [smem:$0x3FAE]  }
0x30: {  	s3 =	sld [smem:$0x3FB1]  }
0x31: {  	[smem:$0x3FBA] =	sst s10  }
0x32: {  	s10 =	sld [smem:$0x3FB8];
	_ =	sdelay $0x3  }
0x33: {  	p0 =	seq.s32 s10, $0x1;
	s10 =	sld [smem:$0x3FBA];
	_ =	sdelay $0x3  }
0x34: {  	[smem:$0x3FBA] =	sst s10  }
0x35: {  	s10 =	sld [smem:$0x3FB9];
	_ =	sdelay $0x3  }
0x36: {  	p1 =	seq.s32 s10, $0x1;
	s10 =	sld [smem:$0x3FBA];
	_ =	sdelay $0x3  }
0x37: {  	[smem:$0x3FBA] =	sst s10  }
0x38: {  	s10 =	sld [smem:$0x3FBB]  }
0x39: {  	_ = 	snop;
	(pc) =	sbr.ind lr, $3  }
0x3a: {  	_ = 	snop  }
0x3b: {  	_ = 	snop  }
0x3c: {  	p2 =	seq.s32 s10, $0x1;
	s10 =	sld [smem:$0x3FBA]  }
0x3d: {  	_ =	shalt  }
0x3e: {  	_ =	shalt  }
0x3f: {  	_ =	shalt  }
0x40: {  	_ =	shalt  }
0x41: {  	_ =	shalt  }
0x42: {  	_ =	shalt  }
0x43: {  	_ =	shalt  }
0x44: {  	_ =	shalt  }
0x45: {  	_ =	shalt  }
0x46: {  	_ =	shalt  }
0x47: {  	_ =	shalt  }
0x48: {  	_ =	shalt  }
0x49: {  	_ =	shalt  }
0x4a: {  	_ =	shalt  }
0x4b: {  	_ =	shalt  }
0x4c: {  	_ =	shalt  }
0x4d: {  	_ =	shalt  }
0x4e: {  	_ =	shalt  }
0x4f: {  	_ =	shalt  }
0x50: {  	_ =	shalt  }
0x51: {  	_ =	shalt  }
0x52: {  	_ =	shalt  }
0x53: {  	_ =	shalt  }
0x54: {  	_ =	shalt  }
0x55: {  	_ =	shalt  }
0x56: {  	_ =	shalt  }
0x57: {  	_ =	shalt  }
0x58: {  	_ =	shalt  }
0x59: {  	_ =	shalt  }
0x5a: {  	_ =	shalt  }
0x5b: {  	_ =	shalt  }
0x5c: {  	_ =	shalt  }
0x5d: {  	_ =	shalt  }
0x5e: {  	_ =	shalt  }
0x5f: {  	_ =	shalt  }
0x60: {  	_ =	shalt  }
0x61: {  	_ =	shalt  }
0x62: {  	_ =	shalt  }
0x63: {  	_ =	shalt  }
0x64: {  	_ =	shalt  }
0x65: {  	_ =	shalt  }
0x66: {  	_ =	shalt  }
0x67: {  	_ =	shalt  }
0x68: {  	_ =	shalt  }
0x69: {  	_ =	shalt  }
0x6a: {  	_ =	shalt  }
0x6b: {  	_ =	shalt  }
0x6c: {  	_ =	shalt  }
0x6d: {  	_ =	shalt  }
0x6e: {  	_ =	shalt  }
0x6f: {  	_ =	shalt  }
0x70: {  	_ =	shalt  }
0x71: {  	_ =	shalt  }
0x72: {  	_ =	shalt  }
0x73: {  	_ =	shalt  }
0x74: {  	_ =	shalt  }
0x75: {  	_ =	shalt  }
0x76: {  	_ =	shalt  }
0x77: {  	_ =	shalt  }
0x78: {  	_ =	shalt  }
0x79: {  	_ =	shalt  }
0x7a: {  	_ =	shalt  }
0x7b: {  	_ =	shalt  }
0x7c: {  	_ =	shalt  }
0x7d: {  	_ =	shalt  }
0x7e: {  	_ =	shalt  }
0x7f: {  	_ =	shalt  }
0x80: {  	_ =	shalt  }
0x81: {  	_ =	shalt  }
0x82: {  	_ =	shalt  }
0x83: {  	_ =	shalt  }
0x84: {  	_ =	shalt  }
0x85: {  	_ =	shalt  }
0x86: {  	_ =	shalt  }
0x87: {  	_ =	shalt  }
.Lfunc_end0:
.L_simem_size_0:
called_computation.1_lowered:
.L_overlay_start_0:
0x88: {  	s2 =	sld [smem:$0x3FD9]  }
0x89: {  	s3 =	sld [smem:$0x3FFE];
	_ =	sdelay $0x1  }
0x8a: {  	s1 =	srdreg.scid  }
0x8b: {  	s0 =	sand.u32 $0x1, s1  }
0x8c: {  	s17 =	sshll.u32 s0, $0xA;
	s2 =	sadd.s32 s3, s2  }
0x8d: {  	s2 =	sadd.s32 s2, s17  }
0x8e: {  	[smem:$0x3FC6] =	sst s2  }
0x8f: {  	_ = 	snop  }
0x90: {  	s2 =	sld [smem:$0x3FC8];
	(tm) =	ssettm $0x1  }
0x91: {  	s18 =	sld [smem:$0x3FFB];
	_ =	sdelay $0x3  }
0x92: {  	_ =	strace s18  }
0x93: {  	s3 =	sld [smem:$0x3FFC];
	_ =	sdelay $0x3  }
0x94: {  	_ =	strace s3  }
0x95: {  	s3 =	sld [smem:$0x3FFD];
	_ =	sdelay $0x3  }
0x96: {  	_ =	strace s3  }
0x97: {  	_ =	strace $0x8FFFFFFF  }
0x98: {  	s19 =	sld [smem:$0x3FDB];
	_ =	sdelay $0x1  }
0x99: {  	s4 =	simm.s32 $_scs_section_size  }
0x9a: {  	s5 =	simm.s32 $_size__tile_overlayer_lowered;
	s6 =	simm.s32 $_tile_overlayer_lowered  }
0x9b: {  	s22 =	simm.s32 $0x1BFF;
	s21 =	sshll.u32 s6, $0x1;
	s3 =	sadd.s32 s4, s19  }
0x9c: {  	s7 =	simm.s32 $0x0;
	s20 =	sshll.u32 s5, $0x1;
	s5 =	sadd.s32 s21, s3  }
0x9d: {  	[timem:s7], [sflag:s22] =	dma.local [hbm:s5], s20  }
0x9e: {  	_ =	swait.ge [sflag:s22], s20  }
0x9f: {  	s4 =	ssub.s32 $0x0, s20;
	[sflag:s22] =	ssyncset.done $0x0  }
0xa0: {  	[sflag:s22] =	ssyncadd.s32 s4;
	_ =	sdelay $0x1  }
0xa1: {  	s23 =	simm.s32 $0x1B8B  }
0xa2: {  	_ =	swait.ge [sflag:s23], $0x1  }
0xa3: {  	[sflag:s23] =	ssyncset.done $0x0  }
0xa4: {  	s25 =	simm.s32 $0x1B8E;
	s24 =	sld [smem:$0x3FFE];
	[sflag:s23] =	ssyncadd.s32 $0xFFFFFFFF  }
0xa5: {  	s26 =	simm.s32 $execute0_lowered;
	[smem:$0x3FD2] =	sst s25  }
0xa6: {  	s5 =	sshll.u32 s26, $0x1;
	_ =	strace $0x80000046;
	[dreg:$0x1] =	wrdreg $0xFFFFFFFF  }
0xa7: {  	s28 =	simm.s32 $_size_execute0_lowered;
	s3 =	sadd.s32 s3, s5;
	[dreg:$0x0] =	wrdreg $0x0  }
0xa8: {  	s5 =	sshll.u32 s28, $0x1;
	[dreg:$0x2] =	wrdreg s3  }
0xa9: {  	[dreg:$0x3] =	wrdreg s5  }
0xaa: {  	[dreg:$0x4] =	wrdreg $0xC0  }
0xab: {  	_ =	task [dreg:s7], $0x5FFFF  }
0xac: {  	[dreg:$0x1] =	wrdreg $0xFFFFFFFF  }
0xad: {  	[dreg:$0x0] =	wrdreg $0x60  }
0xae: {  	[dreg:$0x2] =	wrdreg s2  }
0xaf: {  	[dreg:$0x3] =	wrdreg s24  }
0xb0: {  	[dreg:$0x4] =	wrdreg $0x9  }
0xb1: {  	_ =	task.clear_ibuf [dreg:s7], $0x5FFFF;
	_ =	strace $0x90000046  }
0xb2: {  	s29 =	simm.s32 $0x9;
	_ =	strace $0x80000048  }
0xb3: {  	_ =	swait.ge [sflag:s29], $0x1  }
0xb4: {  	[sflag:s29] =	ssyncadd.s32 $0xFFFFFFFF  }
0xb5: {  	_ =	strace $0x90000048  }
0xb6: {  	_ =	sfence  }
0xb7: {  	s30 =	sld [smem:$0x0];
	_ =	sdelay $0x2  }
0xb8: {  	s31 =	sshll.u32 s1, $0xD;
	s1 =	sshrl.u32 s1, $0x2  }
0xb9: {  	s3 =	sand.u32 $0x4000, s31;
	s1 =	sadd.s32 s1, s30  }
0xba: {  	s0 =	sor.u32 s3, s0;
	s1 =	sshll.u32 s1, $0x11  }
0xbb: {  	s0 =	sor.u32 s1, s0  }
0xbc: {  	s0 =	sadd.s32 $0x8F2B, s0  }
0xbd: {  	[sflag:s0] =	ssyncadd.remote.s32 $0x1  }
0xbe: {  	_ =	sfence.sel $0xFFFF  }
0xbf: {  	[dreg:$0x0] =	wrdreg $0xFFFFFFFF;
	(pc) =	sbr.abs _section_cstart, $3  }
0xc0: {  	[dreg:$0x1] =	wrdreg $0xFFFFFFFF  }
0xc1: {  	_ =	task.clear_ibuf [dreg:s7], $0x2FFFF;
	_ =	strace $0x9FFFFFFF  }
0xc2: {  	(tm) =	ssettm $0x7FFFFFFF  }
0xc3: {  	_ =	shalt  }
tec
execute0_lowered:
.L_overlay_start_1:
0x0: {  	(tag) =	ssettag $0x1  }
0x1: {  	v0 =	vimm.s32 $0xB80  }
0x2: {  	vm14 =	vcmask $0x300;
	vm13 =	vcmask $0x704;
	vm12 =	vcmask $0xB08  }
0x3: {  	vm11 =	vcmask $0xF0C;
	vm10 =	vcmask $0x1310;
	vm9 =	vcmask $0x1714  }
0x4: {  	vm8 =	vcmask $0x1B18;
	vm7 =	vcmask $0x1F1C;
	vm6 =	vcmask $0x2320  }
0x5: {  	vm5 =	vcmask $0x2724;
	vm4 =	vcmask $0x2B28;
	vm3 =	vcmask $0x2F2C  }
0x6: {  	vm2 =	vcmask $0x3330;
	vm1 =	vcmask $0x3734;
	vm0 =	vcmask $0x3B38  }
0x7: {  	v1 =	vimm.s32 $0x1B80;
	v2 =	vimm.s32 $0x2B80;
	v3 =	vimm.s32 $0x3B80  }
0x8: {  	v0 =	vsel vm14, $0x0, v0;
	v1 =	vsel vm14, $0x1000, v1;
	v2 =	vsel vm14, $0x2000, v2  }
0x9: {  	v3 =	vsel vm14, $0x3000, v3;
	v0 =	vsel vm13, $0x80, v0;
	v1 =	vsel vm13, $0x1080, v1  }
0xa: {  	v2 =	vsel vm13, $0x2080, v2;
	v3 =	vsel vm13, $0x3080, v3;
	v0 =	vsel vm12, $0x100, v0  }
0xb: {  	v1 =	vsel vm12, $0x1100, v1;
	v2 =	vsel vm12, $0x2100, v2;
	v3 =	vsel vm12, $0x3100, v3  }
0xc: {  	v0 =	vsel vm11, $0x180, v0;
	v1 =	vsel vm11, $0x1180, v1;
	v2 =	vsel vm11, $0x2180, v2  }
0xd: {  	v3 =	vsel vm11, $0x3180, v3;
	v0 =	vsel vm10, $0x200, v0;
	v1 =	vsel vm10, $0x1200, v1  }
0xe: {  	v2 =	vsel vm10, $0x2200, v2;
	v3 =	vsel vm10, $0x3200, v3;
	v0 =	vsel vm9, $0x280, v0  }
0xf: {  	s8 =	rddreg [dreg:$0x0];
	v1 =	vsel vm9, $0x1280, v1;
	v2 =	vsel vm9, $0x2280, v2;
	v3 =	vsel vm9, $0x3280, v3  }
0x10: {  	s9 =	rddreg [dreg:$0x1];
	v0 =	vsel vm8, $0x300, v0;
	v1 =	vsel vm8, $0x1300, v1;
	v2 =	vsel vm8, $0x2300, v2  }
0x11: {  	s0 =	rddreg [dreg:$0x2];
	s2 =	simm.s32 $0x0;
	v3 =	vsel vm8, $0x3300, v3;
	v0 =	vsel vm7, $0x380, v0;
	v1 =	vsel vm7, $0x1380, v1  }
0x12: {  	s3 =	srdreg.scid;
	s1 =	stileid.u32;
	s12 =	simm.s32 $0x7A1400;
	v2 =	vsel vm7, $0x2380, v2;
	v3 =	vsel vm7, $0x3380, v3;
	v0 =	vsel vm6, $0x800, v0  }
0x13: {  	s13 =	simm.s32 $0x4000;
	s14 =	simm.s32 $0x1;
	s15 =	simm.s32 $0x8000;
	v1 =	vsel vm6, $0x1800, v1;
	v2 =	vsel vm6, $0x2800, v2;
	v3 =	vsel vm6, $0x3800, v3  }
0x14: {  	s16 =	simm.s32 $0x2;
	s17 =	simm.s32 $0xC000;
	s18 =	simm.s32 $0x3;
	v0 =	vsel vm5, $0x880, v0;
	v1 =	vsel vm5, $0x1880, v1;
	v2 =	vsel vm5, $0x2880, v2  }
0x15: {  	s19 =	simm.s32 $0x4;
	s20 =	simm.s32 $0x0;
	[smem:$0x7FF] =	sst s2;
	v3 =	vsel vm5, $0x3880, v3;
	v0 =	vsel vm4, $0x900, v0;
	v1 =	vsel vm4, $0x1900, v1  }
0x16: {  	s3 =	sand.u32 $0x1, s3;
	s4 =	sshll.u32 s1, $0x1;
	s5 =	sadd.s32 $0x1000, s9;
	v2 =	vsel vm4, $0x2900, v2;
	v3 =	vsel vm4, $0x3900, v3;
	v0 =	vsel vm3, $0x980, v0  }
.Ltmp0:
0x17: {  	_ =	strace $0x80000047;
	s6 =	ssub.s32 $0x2, s3;
	v1 =	vsel vm3, $0x1980, v1;
	v2 =	vsel vm3, $0x2980, v2;
	v3 =	vsel vm3, $0x3980, v3;
	(pc) =	sbr.rel .LBB2_1-.Ltmp0, $4  }
0x18: {  	s3 =	sor.u32 s3, s4;
	s4 =	sadd.s32 $0xE00, s9;
	s9 =	sadd.s32 $0x7A2000, s9;
	v0 =	vsel vm2, $0xA00, v0;
	v1 =	vsel vm2, $0x1A00, v1;
	v2 =	vsel vm2, $0x2A00, v2  }
0x19: {  	s7 =	sshrl.u32 s6, $0x1;
	s10 =	sshll.u32 s3, $0x8;
	p0 =	sne.s32 s3, $0x0;
	v3 =	vsel vm2, $0x3A00, v3;
	v0 =	vsel vm1, $0xA80, v0;
	v1 =	vsel vm1, $0x1A80, v1  }
0x1a: {  	s11 =	ssub.s32 s6, s7;
	s6 =	sadd.s32 s8, s10;
	s8 =	sadd.s32 $0x4000, s8;
	v2 =	vsel vm1, $0x2A80, v2;
	v3 =	vsel vm1, $0x3A80, v3;
	v0 =	vsel vm0, $0xB00, v0  }
0x1b: {  	s7 =	sadd.s32 $0x2000, s6;
	s10 =	smax.u32 s11, $0x1;
	s11 =	simm.s32 $0x800;
	v1 =	vsel vm0, $0x1B00, v1;
	v2 =	vsel vm0, $0x2B00, v2;
	v3 =	vsel vm0, $0x3B00, v3  }
.LBB2_11:
0x1c: {  	_ =	swait.ge [sflag:s18], $0x4000  }
0x1d: {  	[sflag:s18] =	ssyncset.done $0x0  }
0x1e: {  	[sflag:s18] =	ssyncadd.s32 $0xFFFFC000  }
0x1f: {  	_ =	swait.ge [sflag:s19], $0x4000  }
0x20: {  	s21 =	simm.s32 @!p0 $0x0;
	[sflag:s19] =	ssyncset.done $0x0  }
0x21: {  	s22 =	simm.s32 @!p0 $0x8000;
	s23 =	simm.s32 @!p0 $0x5;
	[sflag:s19] =	ssyncadd.s32 $0xFFFFC000  }
0x22: {  	[tilespmem:s22], [sflag:$0x5] =	stream.linear.gather @!p0 [hbm4b:s4+s21], $0x1000, $0x38;
	[tilespmem:$0x10000] =	vst v63  }
0x23: {  	s20 =	sadd.s32 $0x1, s20;
	_ =	swait.ge @!p0 [sflag:s23], $0x1000  }
0x24: {  	p1 =	sne.s32 s20, s10;
	[sflag:s23] =	ssyncset.done @!p0 $0x0  }
.Ltmp1:
0x25: {  	[sflag:s23] =	ssyncadd.s32 @!p0 $0xFFFFF000;
	(pc) =	sbr.rel @!p1 .LBB2_12-.Ltmp1, $4  }
0x26: {  	[hbm4b:s9+s21] =	stream.linear.scatter @!p0 [tilespmem:s22], [sflag:$0x5], $0x1000, $0x38;
	[tilespmem:$0x10000] =	vst v63  }
0x27: {  	_ =	swait.ge @!p0 [sflag:s23], $0x1000  }
0x28: {  	[sflag:s23] =	ssyncset.done @!p0 $0x0  }
0x29: {  	[sflag:s23] =	ssyncadd.s32 @!p0 $0xFFFFF000  }
.LBB2_1:
.Ltmp2:
0x2a: {  	(pc) =	sbr.rel .LBB2_2-.Ltmp2, $4  }
0x2b: {  	_ = 	snop  }
0x2c: {  	[tilespmem:s2], [sflag:$0x1] =	stream.strided.gather [hbm4b:s6+s11], $0x4000, s12, s11, $0x38;
	[tilespmem:$0x10000] =	vst v63  }
0x2d: {  	s21 =	simm.s32 $0x0  }
0x2e: {  	[tilespmem:s13], [sflag:$0x2] =	stream.strided.gather [hbm4b:s7+s11], $0x4000, s12, s11, $0x38;
	[tilespmem:$0x10000] =	vst v63  }
.LBB2_10:
0x2f: {  	s21 =	sadd.s32 $0x1, s21  }
0x30: {  	p1 =	sne.s32 s21, $0x3E  }
.Ltmp3:
0x31: {  	_ = 	snop;
	(pc) =	sbr.rel @!p1 .LBB2_11-.Ltmp3, $1  }
0x32: {  	_ =	sdelay $0x3  }
.LBB2_2:
0x33: {  	s22 =	sshll.u32 s21, $0x6  }
0x34: {  	s22 =	sor.u32 s3, s22  }
0x35: {  	p2 =	sgt.u32 s22, $0xF41  }
.Ltmp4:
0x36: {  	_ = 	snop;
	(pc) =	sbr.rel @p2 .LBB2_6-.Ltmp4, $2  }
0x37: {  	_ =	sdelay $0x2  }
0x38: {  	p1 =	seq.s32 s21, $0x0  }
0x39: {  	v4 =	vimm.s32 $0x0  }
0x3a: {  	v5 =	vshll.u32 v4, $0x3  }
0x3b: {  	v5 =	vand.u32 $0xFFFFFC00, v5  }
0x3c: {  	_ =	swait.ge [sflag:s14], $0x4000;
	v6 =	vand.u32 $0x78, v4;
	v7 =	vadd.s32 v0, v5  }
0x3d: {  	[sflag:s14] =	ssyncset.done $0x0;
	v8 =	vor.u32 v6, v7  }
0x3e: {  	s23 =	simm.s32 @!p1 $0x3;
	[sflag:s14] =	ssyncadd.s32 $0xFFFFC000  }
0x3f: {  	_ =	swait.ge @!p1 [sflag:s23], $0x4000  }
0x40: {  	[sflag:s23] =	ssyncset.done @!p1 $0x0  }
0x41: {  	[sflag:s23] =	ssyncadd.s32 @!p1 $0xFFFFC000  }
0x42: {  	v9 =	vor.u32 $0x1, v6;
	v8 =	vld.idx.msk [tilespmem:v8+s2+$0x0], $0xffff  }
0x43: {  	v10 =	vor.u32 v9, v7;
	_ =	sdelay $0x2  }
0x44: {  	s23 =	simm.s32 $0x0  }
0x45: {  	[tilespmem:s23+$0x8000] =	vst v8  }
0x46: {  	v40 =	vadd.s32 v1, v5;
	v8 =	vld.idx.msk [tilespmem:v10+s2+$0x0], $0xffff  }
0x47: {  	v11 =	vor.u32 v6, v40;
	_ =	sdelay $0x3  }
0x48: {  	[tilespmem:s23+$0x8040] =	vst v8  }
0x49: {  	v8 =	vld.idx.msk [tilespmem:v11+s2+$0x0], $0xffff  }
0x4a: {  	v41 =	vor.u32 v9, v40;
	_ =	sdelay $0x3  }
0x4b: {  	[tilespmem:s23+$0x8010] =	vst v8  }
0x4c: {  	v42 =	vadd.s32 v2, v5;
	v8 =	vld.idx.msk [tilespmem:v41+s2+$0x0], $0xffff  }
0x4d: {  	v12 =	vor.u32 v6, v42;
	_ =	sdelay $0x3  }
0x4e: {  	[tilespmem:s23+$0x8050] =	vst v8  }
0x4f: {  	v8 =	vld.idx.msk [tilespmem:v12+s2+$0x0], $0xffff  }
0x50: {  	v43 =	vor.u32 v9, v42;
	_ =	sdelay $0x3  }
0x51: {  	[tilespmem:s23+$0x8020] =	vst v8  }
0x52: {  	v5 =	vadd.s32 v3, v5;
	v8 =	vld.idx.msk [tilespmem:v43+s2+$0x0], $0xffff  }
0x53: {  	v44 =	vor.u32 v6, v5;
	_ =	sdelay $0x3  }
0x54: {  	[tilespmem:s23+$0x8060] =	vst v8  }
0x55: {  	v8 =	vld.idx.msk [tilespmem:v44+s2+$0x0], $0xffff  }
0x56: {  	v9 =	vor.u32 v9, v5;
	_ =	sdelay $0x3  }
0x57: {  	[tilespmem:s23+$0x8030] =	vst v8  }
0x58: {  	v45 =	vor.u32 $0x2, v6;
	v8 =	vld.idx.msk [tilespmem:v9+s2+$0x0], $0xffff  }
0x59: {  	v46 =	vor.u32 v45, v7;
	_ =	sdelay $0x3  }
0x5a: {  	[tilespmem:s23+$0x8070] =	vst v8  }
0x5b: {  	v47 =	vor.u32 $0x3, v6;
	v8 =	vld.idx.msk [tilespmem:v46+s2+$0x0], $0xffff  }
0x5c: {  	v13 =	vor.u32 v47, v7;
	_ =	sdelay $0x3  }
0x5d: {  	[tilespmem:s23+$0x8080] =	vst v8  }
0x5e: {  	v8 =	vld.idx.msk [tilespmem:v13+s2+$0x0], $0xffff  }
0x5f: {  	v48 =	vor.u32 v45, v40;
	_ =	sdelay $0x3  }
0x60: {  	[tilespmem:s23+$0x80C0] =	vst v8  }
0x61: {  	v8 =	vld.idx.msk [tilespmem:v48+s2+$0x0], $0xffff  }
0x62: {  	v49 =	vor.u32 v47, v40;
	_ =	sdelay $0x3  }
0x63: {  	[tilespmem:s23+$0x8090] =	vst v8  }
0x64: {  	v8 =	vld.idx.msk [tilespmem:v49+s2+$0x0], $0xffff  }
0x65: {  	v50 =	vor.u32 v45, v42;
	_ =	sdelay $0x3  }
0x66: {  	[tilespmem:s23+$0x80D0] =	vst v8  }
0x67: {  	v8 =	vld.idx.msk [tilespmem:v50+s2+$0x0], $0xffff  }
0x68: {  	v51 =	vor.u32 v47, v42;
	_ =	sdelay $0x3  }
0x69: {  	[tilespmem:s23+$0x80A0] =	vst v8  }
0x6a: {  	v8 =	vld.idx.msk [tilespmem:v51+s2+$0x0], $0xffff  }
0x6b: {  	v9 =	vor.u32 v45, v5;
	_ =	sdelay $0x3  }
0x6c: {  	[tilespmem:s23+$0x80E0] =	vst v8  }
0x6d: {  	v8 =	vld.idx.msk [tilespmem:v9+s2+$0x0], $0xffff  }
0x6e: {  	v52 =	vor.u32 v47, v5;
	_ =	sdelay $0x3  }
0x6f: {  	[tilespmem:s23+$0x80B0] =	vst v8  }
0x70: {  	v53 =	vor.u32 $0x4, v6;
	v8 =	vld.idx.msk [tilespmem:v52+s2+$0x0], $0xffff  }
0x71: {  	v54 =	vor.u32 v53, v7;
	_ =	sdelay $0x3  }
0x72: {  	[tilespmem:s23+$0x80F0] =	vst v8  }
0x73: {  	v55 =	vor.u32 $0x5, v6;
	v8 =	vld.idx.msk [tilespmem:v54+s2+$0x0], $0xffff  }
0x74: {  	v56 =	vor.u32 v55, v7;
	_ =	sdelay $0x3  }
0x75: {  	[tilespmem:s23+$0x8100] =	vst v8  }
0x76: {  	v8 =	vld.idx.msk [tilespmem:v56+s2+$0x0], $0xffff  }
0x77: {  	v57 =	vor.u32 v53, v40;
	_ =	sdelay $0x3  }
0x78: {  	[tilespmem:s23+$0x8140] =	vst v8  }
0x79: {  	v8 =	vld.idx.msk [tilespmem:v57+s2+$0x0], $0xffff  }
0x7a: {  	v58 =	vor.u32 v55, v40;
	_ =	sdelay $0x3  }
0x7b: {  	[tilespmem:s23+$0x8110] =	vst v8  }
0x7c: {  	v8 =	vld.idx.msk [tilespmem:v58+s2+$0x0], $0xffff  }
0x7d: {  	v59 =	vor.u32 v53, v42;
	_ =	sdelay $0x3  }
0x7e: {  	[tilespmem:s23+$0x8150] =	vst v8  }
0x7f: {  	v8 =	vld.idx.msk [tilespmem:v59+s2+$0x0], $0xffff  }
0x80: {  	v60 =	vor.u32 v55, v42;
	_ =	sdelay $0x3  }
0x81: {  	[tilespmem:s23+$0x8120] =	vst v8  }
0x82: {  	v8 =	vld.idx.msk [tilespmem:v60+s2+$0x0], $0xffff  }
0x83: {  	v9 =	vor.u32 v53, v5;
	_ =	sdelay $0x3  }
0x84: {  	[tilespmem:s23+$0x8160] =	vst v8  }
0x85: {  	v8 =	vld.idx.msk [tilespmem:v9+s2+$0x0], $0xffff  }
0x86: {  	v61 =	vor.u32 v55, v5;
	_ =	sdelay $0x3  }
0x87: {  	[tilespmem:s23+$0x8130] =	vst v8  }
0x88: {  	v62 =	vor.u32 $0x6, v6;
	v8 =	vld.idx.msk [tilespmem:v61+s2+$0x0], $0xffff  }
0x89: {  	v63 =	vor.u32 v62, v7;
	_ =	sdelay $0x3  }
0x8a: {  	[tilespmem:s23+$0x8170] =	vst v8  }
0x8b: {  	v6 =	vor.u32 $0x7, v6;
	v8 =	vld.idx.msk [tilespmem:v63+s2+$0x0], $0xffff  }
0x8c: {  	v7 =	vor.u32 v6, v7;
	_ =	sdelay $0x3  }
0x8d: {  	[tilespmem:s23+$0x8180] =	vst v8  }
0x8e: {  	v7 =	vld.idx.msk [tilespmem:v7+s2+$0x0], $0xffff  }
0x8f: {  	v8 =	vor.u32 v62, v40;
	_ =	sdelay $0x3  }
0x90: {  	[tilespmem:s23+$0x81C0] =	vst v7  }
0x91: {  	v7 =	vld.idx.msk [tilespmem:v8+s2+$0x0], $0xffff  }
0x92: {  	v8 =	vor.u32 v6, v40;
	_ =	sdelay $0x3  }
0x93: {  	[tilespmem:s23+$0x8190] =	vst v7  }
0x94: {  	v7 =	vld.idx.msk [tilespmem:v8+s2+$0x0], $0xffff  }
0x95: {  	v8 =	vor.u32 v62, v42;
	_ =	sdelay $0x3  }
0x96: {  	[tilespmem:s23+$0x81D0] =	vst v7  }
0x97: {  	v7 =	vld.idx.msk [tilespmem:v8+s2+$0x0], $0xffff  }
0x98: {  	v8 =	vor.u32 v6, v42;
	_ =	sdelay $0x3  }
0x99: {  	[tilespmem:s23+$0x81A0] =	vst v7  }
0x9a: {  	v7 =	vld.idx.msk [tilespmem:v8+s2+$0x0], $0xffff  }
0x9b: {  	v8 =	vor.u32 v62, v5;
	_ =	sdelay $0x3  }
0x9c: {  	[tilespmem:s23+$0x81E0] =	vst v7  }
0x9d: {  	v7 =	vld.idx.msk [tilespmem:v8+s2+$0x0], $0xffff  }
0x9e: {  	v5 =	vor.u32 v6, v5;
	_ =	sdelay $0x2  }
0x9f: {  	v4 =	vadd.s32 $0x8, v4  }
0xa0: {  	s24 =	simm.s32 $0x800;
	s25 =	simm.s32 $0x1000;
	v6 =	vshll.u32 v4, $0x3;
	[tilespmem:s23+$0x81B0] =	vst v7  }
.LBB2_4:
0xa1: {  	p2 =	sne.s32 s25, $0xF800;
	v9 =	vand.u32 $0xFFFFFC00, v6;
	v7 =	vld.idx.msk [tilespmem:v5+s2+$0x0], $0xffff  }
0xa2: {  	v6 =	vand.u32 $0x78, v4;
	v5 =	vadd.s32 v0, v9  }
0xa3: {  	v8 =	vor.u32 v6, v5;
	_ =	sdelay $0x3  }
0xa4: {  	[tilespmem:s23+$0x81F0] =	vst v7  }
0xa5: {  	v7 =	vld.idx.msk [tilespmem:v8+s2+$0x0], $0xffff  }
0xa6: {  	v10 =	vor.u32 $0x1, v6  }
0xa7: {  	v8 =	vor.u32 v10, v5;
	_ =	sdelay $0x2  }
0xa8: {  	s23 =	sshra.s32 s24, $0x2;
	s24 =	smov.u32 s25  }
0xa9: {  	[tilespmem:s23+$0x8000] =	vst v7  }
0xaa: {  	v8 =	vld.idx.msk [tilespmem:v8+s2+$0x0], $0xffff  }
0xab: {  	v7 =	vadd.s32 v1, v9  }
0xac: {  	v11 =	vor.u32 v6, v7;
	_ =	sdelay $0x3  }
0xad: {  	[tilespmem:s23+$0x8040] =	vst v8  }
0xae: {  	v8 =	vld.idx.msk [tilespmem:v11+s2+$0x0], $0xffff;
	_ =	sdelay $0x1  }
0xaf: {  	v11 =	vor.u32 v10, v7;
	_ =	sdelay $0x3  }
0xb0: {  	[tilespmem:s23+$0x8010] =	vst v8  }
0xb1: {  	v11 =	vld.idx.msk [tilespmem:v11+s2+$0x0], $0xffff  }
0xb2: {  	v8 =	vadd.s32 v2, v9  }
0xb3: {  	v12 =	vor.u32 v6, v8;
	_ =	sdelay $0x3  }
0xb4: {  	[tilespmem:s23+$0x8050] =	vst v11  }
0xb5: {  	v11 =	vld.idx.msk [tilespmem:v12+s2+$0x0], $0xffff;
	_ =	sdelay $0x1  }
0xb6: {  	v12 =	vor.u32 v10, v8;
	_ =	sdelay $0x3  }
0xb7: {  	[tilespmem:s23+$0x8020] =	vst v11  }
0xb8: {  	v11 =	vld.idx.msk [tilespmem:v12+s2+$0x0], $0xffff  }
0xb9: {  	v9 =	vadd.s32 v3, v9  }
0xba: {  	v12 =	vor.u32 v6, v9;
	_ =	sdelay $0x3  }
0xbb: {  	[tilespmem:s23+$0x8060] =	vst v11  }
0xbc: {  	v11 =	vld.idx.msk [tilespmem:v12+s2+$0x0], $0xffff;
	_ =	sdelay $0x1  }
0xbd: {  	v10 =	vor.u32 v10, v9;
	_ =	sdelay $0x3  }
0xbe: {  	[tilespmem:s23+$0x8030] =	vst v11  }
0xbf: {  	v10 =	vld.idx.msk [tilespmem:v10+s2+$0x0], $0xffff  }
0xc0: {  	v11 =	vor.u32 $0x2, v6  }
0xc1: {  	v12 =	vor.u32 v11, v5;
	_ =	sdelay $0x3  }
0xc2: {  	[tilespmem:s23+$0x8070] =	vst v10  }
0xc3: {  	v10 =	vld.idx.msk [tilespmem:v12+s2+$0x0], $0xffff  }
0xc4: {  	v12 =	vor.u32 $0x3, v6  }
0xc5: {  	v13 =	vor.u32 v12, v5;
	_ =	sdelay $0x3  }
0xc6: {  	[tilespmem:s23+$0x8080] =	vst v10  }
0xc7: {  	v10 =	vld.idx.msk [tilespmem:v13+s2+$0x0], $0xffff;
	_ =	sdelay $0x1  }
0xc8: {  	v13 =	vor.u32 v11, v7;
	_ =	sdelay $0x3  }
0xc9: {  	[tilespmem:s23+$0x80C0] =	vst v10  }
0xca: {  	v10 =	vld.idx.msk [tilespmem:v13+s2+$0x0], $0xffff;
	_ =	sdelay $0x1  }
0xcb: {  	v13 =	vor.u32 v12, v7;
	_ =	sdelay $0x3  }
0xcc: {  	[tilespmem:s23+$0x8090] =	vst v10  }
0xcd: {  	v10 =	vld.idx.msk [tilespmem:v13+s2+$0x0], $0xffff;
	_ =	sdelay $0x1  }
0xce: {  	v13 =	vor.u32 v11, v8;
	_ =	sdelay $0x3  }
0xcf: {  	[tilespmem:s23+$0x80D0] =	vst v10  }
0xd0: {  	v10 =	vld.idx.msk [tilespmem:v13+s2+$0x0], $0xffff;
	_ =	sdelay $0x1  }
0xd1: {  	v13 =	vor.u32 v12, v8;
	_ =	sdelay $0x3  }
0xd2: {  	[tilespmem:s23+$0x80A0] =	vst v10  }
0xd3: {  	v10 =	vld.idx.msk [tilespmem:v13+s2+$0x0], $0xffff;
	_ =	sdelay $0x1  }
0xd4: {  	v11 =	vor.u32 v11, v9;
	_ =	sdelay $0x3  }
0xd5: {  	[tilespmem:s23+$0x80E0] =	vst v10  }
0xd6: {  	v10 =	vld.idx.msk [tilespmem:v11+s2+$0x0], $0xffff;
	_ =	sdelay $0x1  }
0xd7: {  	v11 =	vor.u32 v12, v9;
	_ =	sdelay $0x3  }
0xd8: {  	[tilespmem:s23+$0x80B0] =	vst v10  }
0xd9: {  	v10 =	vld.idx.msk [tilespmem:v11+s2+$0x0], $0xffff  }
0xda: {  	v11 =	vor.u32 $0x4, v6  }
0xdb: {  	v12 =	vor.u32 v11, v5;
	_ =	sdelay $0x3  }
0xdc: {  	[tilespmem:s23+$0x80F0] =	vst v10  }
0xdd: {  	v10 =	vld.idx.msk [tilespmem:v12+s2+$0x0], $0xffff  }
0xde: {  	v12 =	vor.u32 $0x5, v6  }
0xdf: {  	v13 =	vor.u32 v12, v5;
	_ =	sdelay $0x3  }
0xe0: {  	[tilespmem:s23+$0x8100] =	vst v10  }
0xe1: {  	v10 =	vld.idx.msk [tilespmem:v13+s2+$0x0], $0xffff;
	_ =	sdelay $0x1  }
0xe2: {  	v13 =	vor.u32 v11, v7;
	_ =	sdelay $0x3  }
0xe3: {  	[tilespmem:s23+$0x8140] =	vst v10  }
0xe4: {  	v10 =	vld.idx.msk [tilespmem:v13+s2+$0x0], $0xffff;
	_ =	sdelay $0x1  }
0xe5: {  	v13 =	vor.u32 v12, v7;
	_ =	sdelay $0x3  }
0xe6: {  	[tilespmem:s23+$0x8110] =	vst v10  }
0xe7: {  	v10 =	vld.idx.msk [tilespmem:v13+s2+$0x0], $0xffff;
	_ =	sdelay $0x1  }
0xe8: {  	v13 =	vor.u32 v11, v8;
	_ =	sdelay $0x3  }
0xe9: {  	[tilespmem:s23+$0x8150] =	vst v10  }
0xea: {  	v10 =	vld.idx.msk [tilespmem:v13+s2+$0x0], $0xffff;
	_ =	sdelay $0x1  }
0xeb: {  	v13 =	vor.u32 v12, v8;
	_ =	sdelay $0x3  }
0xec: {  	[tilespmem:s23+$0x8120] =	vst v10  }
0xed: {  	v10 =	vld.idx.msk [tilespmem:v13+s2+$0x0], $0xffff;
	_ =	sdelay $0x1  }
0xee: {  	v11 =	vor.u32 v11, v9;
	_ =	sdelay $0x3  }
0xef: {  	[tilespmem:s23+$0x8160] =	vst v10  }
0xf0: {  	v10 =	vld.idx.msk [tilespmem:v11+s2+$0x0], $0xffff;
	_ =	sdelay $0x1  }
0xf1: {  	v11 =	vor.u32 v12, v9;
	_ =	sdelay $0x3  }
0xf2: {  	[tilespmem:s23+$0x8130] =	vst v10  }
0xf3: {  	v10 =	vld.idx.msk [tilespmem:v11+s2+$0x0], $0xffff  }
0xf4: {  	v11 =	vor.u32 $0x6, v6  }
0xf5: {  	v12 =	vor.u32 v11, v5;
	_ =	sdelay $0x3  }
0xf6: {  	[tilespmem:s23+$0x8170] =	vst v10  }
0xf7: {  	v10 =	vld.idx.msk [tilespmem:v12+s2+$0x0], $0xffff  }
0xf8: {  	v6 =	vor.u32 $0x7, v6  }
0xf9: {  	v5 =	vor.u32 v6, v5;
	_ =	sdelay $0x3  }
0xfa: {  	[tilespmem:s23+$0x8180] =	vst v10  }
0xfb: {  	v5 =	vld.idx.msk [tilespmem:v5+s2+$0x0], $0xffff;
	_ =	sdelay $0x1  }
0xfc: {  	v10 =	vor.u32 v11, v7;
	_ =	sdelay $0x3  }
0xfd: {  	[tilespmem:s23+$0x81C0] =	vst v5  }
0xfe: {  	v5 =	vld.idx.msk [tilespmem:v10+s2+$0x0], $0xffff;
	_ =	sdelay $0x1  }
0xff: {  	v7 =	vor.u32 v6, v7;
	_ =	sdelay $0x3  }
0x100: {  	[tilespmem:s23+$0x8190] =	vst v5  }
0x101: {  	v5 =	vld.idx.msk [tilespmem:v7+s2+$0x0], $0xffff;
	_ =	sdelay $0x1  }
0x102: {  	v7 =	vor.u32 v11, v8;
	_ =	sdelay $0x3  }
0x103: {  	[tilespmem:s23+$0x81D0] =	vst v5  }
0x104: {  	v5 =	vld.idx.msk [tilespmem:v7+s2+$0x0], $0xffff;
	_ =	sdelay $0x1  }
0x105: {  	v7 =	vor.u32 v6, v8;
	_ =	sdelay $0x3  }
0x106: {  	[tilespmem:s23+$0x81A0] =	vst v5  }
0x107: {  	v5 =	vld.idx.msk [tilespmem:v7+s2+$0x0], $0xffff;
	_ =	sdelay $0x1  }
0x108: {  	v7 =	vor.u32 v11, v9;
	_ =	sdelay $0x3  }
0x109: {  	[tilespmem:s23+$0x81E0] =	vst v5  }
0x10a: {  	v7 =	vld.idx.msk [tilespmem:v7+s2+$0x0], $0xffff;
	_ =	sdelay $0x1  }
.Ltmp5:
0x10b: {  	v5 =	vor.u32 v6, v9;
	(pc) =	sbr.rel @p2 .LBB2_4-.Ltmp5, $3  }
0x10c: {  	_ =	sdelay $0x1  }
0x10d: {  	v4 =	vadd.s32 $0x8, v4  }
0x10e: {  	s25 =	sadd.s32 $0x800, s25;
	v6 =	vshll.u32 v4, $0x3;
	[tilespmem:s23+$0x81B0] =	vst v7  }
0x10f: {  	_ =	sdelay $0x2  }
0x110: {  	v6 =	vand.u32 $0xFFFFFC00, v6  }
0x111: {  	v5 =	vld.idx.msk [tilespmem:v5+s2+$0x0], $0xffff;
	v4 =	vand.u32 $0x78, v4;
	v7 =	vadd.s32 v0, v6  }
0x112: {  	v8 =	vor.u32 v4, v7;
	_ =	sdelay $0x3  }
0x113: {  	[tilespmem:s23+$0x81F0] =	vst v5  }
0x114: {  	v34 =	vor.u32 $0x1, v4;
	v5 =	vld.idx.msk [tilespmem:v8+s2+$0x0], $0xffff  }
0x115: {  	v9 =	vor.u32 v34, v7;
	_ =	sdelay $0x2  }
0x116: {  	s29 =	sshra.s32 s24, $0x2  }
0x117: {  	[tilespmem:s29+$0x8000] =	vst v5  }
0x118: {  	v35 =	vadd.s32 v1, v6;
	v5 =	vld.idx.msk [tilespmem:v9+s2+$0x0], $0xffff  }
0x119: {  	v10 =	vor.u32 v4, v35;
	_ =	sdelay $0x3  }
0x11a: {  	[tilespmem:s29+$0x8040] =	vst v5  }
0x11b: {  	v5 =	vld.idx.msk [tilespmem:v10+s2+$0x0], $0xffff  }
0x11c: {  	v36 =	vor.u32 v34, v35;
	_ =	sdelay $0x3  }
0x11d: {  	[tilespmem:s29+$0x8010] =	vst v5  }
0x11e: {  	v37 =	vadd.s32 v2, v6;
	v5 =	vld.idx.msk [tilespmem:v36+s2+$0x0], $0xffff  }
0x11f: {  	v11 =	vor.u32 v4, v37;
	_ =	sdelay $0x3  }
0x120: {  	[tilespmem:s29+$0x8050] =	vst v5  }
0x121: {  	v5 =	vld.idx.msk [tilespmem:v11+s2+$0x0], $0xffff  }
0x122: {  	v38 =	vor.u32 v34, v37;
	_ =	sdelay $0x3  }
0x123: {  	[tilespmem:s29+$0x8020] =	vst v5  }
0x124: {  	v6 =	vadd.s32 v3, v6;
	v5 =	vld.idx.msk [tilespmem:v38+s2+$0x0], $0xffff  }
0x125: {  	v39 =	vor.u32 v4, v6;
	_ =	sdelay $0x3  }
0x126: {  	[tilespmem:s29+$0x8060] =	vst v5  }
0x127: {  	v5 =	vld.idx.msk [tilespmem:v39+s2+$0x0], $0xffff  }
0x128: {  	v8 =	vor.u32 v34, v6;
	_ =	sdelay $0x3  }
0x129: {  	[tilespmem:s29+$0x8030] =	vst v5  }
0x12a: {  	v40 =	vor.u32 $0x2, v4;
	v5 =	vld.idx.msk [tilespmem:v8+s2+$0x0], $0xffff  }
0x12b: {  	v41 =	vor.u32 v40, v7;
	_ =	sdelay $0x3  }
0x12c: {  	[tilespmem:s29+$0x8070] =	vst v5  }
0x12d: {  	v42 =	vor.u32 $0x3, v4;
	v5 =	vld.idx.msk [tilespmem:v41+s2+$0x0], $0xffff  }
0x12e: {  	v12 =	vor.u32 v42, v7;
	_ =	sdelay $0x3  }
0x12f: {  	[tilespmem:s29+$0x8080] =	vst v5  }
0x130: {  	v5 =	vld.idx.msk [tilespmem:v12+s2+$0x0], $0xffff  }
0x131: {  	v43 =	vor.u32 v40, v35;
	_ =	sdelay $0x3  }
0x132: {  	[tilespmem:s29+$0x80C0] =	vst v5  }
0x133: {  	v5 =	vld.idx.msk [tilespmem:v43+s2+$0x0], $0xffff  }
0x134: {  	v44 =	vor.u32 v42, v35;
	_ =	sdelay $0x3  }
0x135: {  	[tilespmem:s29+$0x8090] =	vst v5  }
0x136: {  	v5 =	vld.idx.msk [tilespmem:v44+s2+$0x0], $0xffff  }
0x137: {  	v45 =	vor.u32 v40, v37;
	_ =	sdelay $0x3  }
0x138: {  	[tilespmem:s29+$0x80D0] =	vst v5  }
0x139: {  	v5 =	vld.idx.msk [tilespmem:v45+s2+$0x0], $0xffff  }
0x13a: {  	v46 =	vor.u32 v42, v37;
	_ =	sdelay $0x3  }
0x13b: {  	[tilespmem:s29+$0x80A0] =	vst v5  }
0x13c: {  	v5 =	vld.idx.msk [tilespmem:v46+s2+$0x0], $0xffff  }
0x13d: {  	v8 =	vor.u32 v40, v6;
	_ =	sdelay $0x3  }
0x13e: {  	[tilespmem:s29+$0x80E0] =	vst v5  }
0x13f: {  	v5 =	vld.idx.msk [tilespmem:v8+s2+$0x0], $0xffff  }
0x140: {  	v47 =	vor.u32 v42, v6;
	_ =	sdelay $0x3  }
0x141: {  	[tilespmem:s29+$0x80B0] =	vst v5  }
0x142: {  	v48 =	vor.u32 $0x4, v4;
	v5 =	vld.idx.msk [tilespmem:v47+s2+$0x0], $0xffff  }
0x143: {  	v49 =	vor.u32 v48, v7;
	_ =	sdelay $0x3  }
0x144: {  	[tilespmem:s29+$0x80F0] =	vst v5  }
0x145: {  	v50 =	vor.u32 $0x5, v4;
	v5 =	vld.idx.msk [tilespmem:v49+s2+$0x0], $0xffff  }
0x146: {  	v51 =	vor.u32 v50, v7;
	_ =	sdelay $0x3  }
0x147: {  	[tilespmem:s29+$0x8100] =	vst v5  }
0x148: {  	v5 =	vld.idx.msk [tilespmem:v51+s2+$0x0], $0xffff  }
0x149: {  	v52 =	vor.u32 v48, v35;
	_ =	sdelay $0x3  }
0x14a: {  	[tilespmem:s29+$0x8140] =	vst v5  }
0x14b: {  	v5 =	vld.idx.msk [tilespmem:v52+s2+$0x0], $0xffff  }
0x14c: {  	v53 =	vor.u32 v50, v35;
	_ =	sdelay $0x3  }
0x14d: {  	[tilespmem:s29+$0x8110] =	vst v5  }
0x14e: {  	v5 =	vld.idx.msk [tilespmem:v53+s2+$0x0], $0xffff  }
0x14f: {  	v54 =	vor.u32 v48, v37;
	_ =	sdelay $0x3  }
0x150: {  	[tilespmem:s29+$0x8150] =	vst v5  }
0x151: {  	v5 =	vld.idx.msk [tilespmem:v54+s2+$0x0], $0xffff  }
0x152: {  	v55 =	vor.u32 v50, v37;
	_ =	sdelay $0x3  }
0x153: {  	[tilespmem:s29+$0x8120] =	vst v5  }
0x154: {  	v5 =	vld.idx.msk [tilespmem:v55+s2+$0x0], $0xffff  }
0x155: {  	v8 =	vor.u32 v48, v6;
	_ =	sdelay $0x3  }
0x156: {  	[tilespmem:s29+$0x8160] =	vst v5  }
0x157: {  	v5 =	vld.idx.msk [tilespmem:v8+s2+$0x0], $0xffff  }
0x158: {  	v56 =	vor.u32 v50, v6;
	_ =	sdelay $0x3  }
0x159: {  	[tilespmem:s29+$0x8130] =	vst v5  }
0x15a: {  	v57 =	vor.u32 $0x6, v4;
	v5 =	vld.idx.msk [tilespmem:v56+s2+$0x0], $0xffff  }
0x15b: {  	v58 =	vor.u32 v57, v7;
	_ =	sdelay $0x3  }
0x15c: {  	[tilespmem:s29+$0x8170] =	vst v5  }
0x15d: {  	v4 =	vor.u32 $0x7, v4;
	v5 =	vld.idx.msk [tilespmem:v58+s2+$0x0], $0xffff  }
0x15e: {  	v7 =	vor.u32 v4, v7;
	_ =	sdelay $0x3  }
0x15f: {  	[tilespmem:s29+$0x8180] =	vst v5  }
0x160: {  	v5 =	vld.idx.msk [tilespmem:v7+s2+$0x0], $0xffff  }
0x161: {  	v59 =	vor.u32 v57, v35;
	_ =	sdelay $0x3  }
0x162: {  	[tilespmem:s29+$0x81C0] =	vst v5  }
0x163: {  	v5 =	vld.idx.msk [tilespmem:v59+s2+$0x0], $0xffff  }
0x164: {  	v60 =	vor.u32 v4, v35;
	_ =	sdelay $0x3  }
0x165: {  	[tilespmem:s29+$0x8190] =	vst v5  }
0x166: {  	v5 =	vld.idx.msk [tilespmem:v60+s2+$0x0], $0xffff  }
0x167: {  	v61 =	vor.u32 v57, v37;
	_ =	sdelay $0x3  }
0x168: {  	[tilespmem:s29+$0x81D0] =	vst v5  }
0x169: {  	v5 =	vld.idx.msk [tilespmem:v61+s2+$0x0], $0xffff  }
0x16a: {  	v62 =	vor.u32 v4, v37;
	_ =	sdelay $0x3  }
0x16b: {  	[tilespmem:s29+$0x81A0] =	vst v5  }
0x16c: {  	v5 =	vld.idx.msk [tilespmem:v62+s2+$0x0], $0xffff  }
0x16d: {  	v63 =	vor.u32 v57, v6;
	_ =	sdelay $0x3  }
0x16e: {  	[tilespmem:s29+$0x81E0] =	vst v5  }
0x16f: {  	v5 =	vld.idx.msk [tilespmem:v63+s2+$0x0], $0xffff  }
0x170: {  	v4 =	vor.u32 v4, v6;
	_ =	sdelay $0x3  }
0x171: {  	[tilespmem:s29+$0x81B0] =	vst v5  }
0x172: {  	v4 =	vld.idx.msk [tilespmem:v4+s2+$0x0], $0xffff;
	_ =	sdelay $0x3  }
0x173: {  	s30 =	sshll.u32 s22, $0xB;
	p2 =	sgt.u32 s22, $0xF01  }
0x174: {  	s31 =	sadd.s32 s5, s30;
	s24 =	simm.s32 @!p2 $0x800;
	s23 =	sshll.u32 @!p2 s22, $0x8;
	[tilespmem:s29+$0x81F0] =	vst v4  }
0x175: {  	[hbm4b:s31+s2] =	stream.linear.scatter [tilespmem:s15], [sflag:$0x3], $0x4000, $0x38;
	[tilespmem:$0x10000] =	vst v63  }
0x176: {  	s25 =	simm.s32 @!p2 $0x7A1400;
	s26 =	simm.s32 @!p2 $0x0;
	s23 =	sadd.s32 @!p2 s23, s8  }
0x177: {  	[tilespmem:s26], [sflag:$0x1] =	stream.strided.gather @!p2 [hbm4b:s23+s24], $0x4000, s25, s24, $0x38;
	[tilespmem:$0x10000] =	vst v63  }
.LBB2_6:
0x178: {  	s22 =	sor.u32 $0x20, s22  }
0x179: {  	p2 =	sgt.u32 s22, $0xF41  }
.Ltmp6:
0x17a: {  	_ = 	snop;
	(pc) =	sbr.rel @p2 .LBB2_10-.Ltmp6, $1  }
0x17b: {  	_ =	sdelay $0x3  }
0x17c: {  	v4 =	vimm.s32 $0x0  }
0x17d: {  	v5 =	vshll.u32 v4, $0x3  }
0x17e: {  	v5 =	vand.u32 $0xFFFFFC00, v5  }
0x17f: {  	_ =	swait.ge [sflag:s16], $0x4000;
	v6 =	vand.u32 $0x78, v4;
	v7 =	vadd.s32 v0, v5  }
0x180: {  	[sflag:s16] =	ssyncset.done $0x0;
	v8 =	vor.u32 v6, v7  }
0x181: {  	s23 =	simm.s32 @!p1 $0x4;
	[sflag:s16] =	ssyncadd.s32 $0xFFFFC000  }
0x182: {  	_ =	swait.ge @!p1 [sflag:s23], $0x4000  }
0x183: {  	[sflag:s23] =	ssyncset.done @!p1 $0x0  }
0x184: {  	[sflag:s23] =	ssyncadd.s32 @!p1 $0xFFFFC000  }
0x185: {  	v9 =	vor.u32 $0x1, v6;
	v8 =	vld.idx.msk [tilespmem:v8+s13+$0x0], $0xffff  }
0x186: {  	v10 =	vor.u32 v9, v7;
	_ =	sdelay $0x2  }
0x187: {  	s23 =	simm.s32 $0x0  }
0x188: {  	[tilespmem:s23+$0xC000] =	vst v8  }
0x189: {  	v40 =	vadd.s32 v1, v5;
	v8 =	vld.idx.msk [tilespmem:v10+s13+$0x0], $0xffff  }
0x18a: {  	v11 =	vor.u32 v6, v40;
	_ =	sdelay $0x3  }
0x18b: {  	[tilespmem:s23+$0xC040] =	vst v8  }
0x18c: {  	v8 =	vld.idx.msk [tilespmem:v11+s13+$0x0], $0xffff  }
0x18d: {  	v41 =	vor.u32 v9, v40;
	_ =	sdelay $0x3  }
0x18e: {  	[tilespmem:s23+$0xC010] =	vst v8  }
0x18f: {  	v42 =	vadd.s32 v2, v5;
	v8 =	vld.idx.msk [tilespmem:v41+s13+$0x0], $0xffff  }
0x190: {  	v12 =	vor.u32 v6, v42;
	_ =	sdelay $0x3  }
0x191: {  	[tilespmem:s23+$0xC050] =	vst v8  }
0x192: {  	v8 =	vld.idx.msk [tilespmem:v12+s13+$0x0], $0xffff  }
0x193: {  	v43 =	vor.u32 v9, v42;
	_ =	sdelay $0x3  }
0x194: {  	[tilespmem:s23+$0xC020] =	vst v8  }
0x195: {  	v5 =	vadd.s32 v3, v5;
	v8 =	vld.idx.msk [tilespmem:v43+s13+$0x0], $0xffff  }
0x196: {  	v44 =	vor.u32 v6, v5;
	_ =	sdelay $0x3  }
0x197: {  	[tilespmem:s23+$0xC060] =	vst v8  }
0x198: {  	v8 =	vld.idx.msk [tilespmem:v44+s13+$0x0], $0xffff  }
0x199: {  	v9 =	vor.u32 v9, v5;
	_ =	sdelay $0x3  }
0x19a: {  	[tilespmem:s23+$0xC030] =	vst v8  }
0x19b: {  	v45 =	vor.u32 $0x2, v6;
	v8 =	vld.idx.msk [tilespmem:v9+s13+$0x0], $0xffff  }
0x19c: {  	v46 =	vor.u32 v45, v7;
	_ =	sdelay $0x3  }
0x19d: {  	[tilespmem:s23+$0xC070] =	vst v8  }
0x19e: {  	v47 =	vor.u32 $0x3, v6;
	v8 =	vld.idx.msk [tilespmem:v46+s13+$0x0], $0xffff  }
0x19f: {  	v13 =	vor.u32 v47, v7;
	_ =	sdelay $0x3  }
0x1a0: {  	[tilespmem:s23+$0xC080] =	vst v8  }
0x1a1: {  	v8 =	vld.idx.msk [tilespmem:v13+s13+$0x0], $0xffff  }
0x1a2: {  	v48 =	vor.u32 v45, v40;
	_ =	sdelay $0x3  }
0x1a3: {  	[tilespmem:s23+$0xC0C0] =	vst v8  }
0x1a4: {  	v8 =	vld.idx.msk [tilespmem:v48+s13+$0x0], $0xffff  }
0x1a5: {  	v49 =	vor.u32 v47, v40;
	_ =	sdelay $0x3  }
0x1a6: {  	[tilespmem:s23+$0xC090] =	vst v8  }
0x1a7: {  	v8 =	vld.idx.msk [tilespmem:v49+s13+$0x0], $0xffff  }
0x1a8: {  	v50 =	vor.u32 v45, v42;
	_ =	sdelay $0x3  }
0x1a9: {  	[tilespmem:s23+$0xC0D0] =	vst v8  }
0x1aa: {  	v8 =	vld.idx.msk [tilespmem:v50+s13+$0x0], $0xffff  }
0x1ab: {  	v51 =	vor.u32 v47, v42;
	_ =	sdelay $0x3  }
0x1ac: {  	[tilespmem:s23+$0xC0A0] =	vst v8  }
0x1ad: {  	v8 =	vld.idx.msk [tilespmem:v51+s13+$0x0], $0xffff  }
0x1ae: {  	v9 =	vor.u32 v45, v5;
	_ =	sdelay $0x3  }
0x1af: {  	[tilespmem:s23+$0xC0E0] =	vst v8  }
0x1b0: {  	v8 =	vld.idx.msk [tilespmem:v9+s13+$0x0], $0xffff  }
0x1b1: {  	v52 =	vor.u32 v47, v5;
	_ =	sdelay $0x3  }
0x1b2: {  	[tilespmem:s23+$0xC0B0] =	vst v8  }
0x1b3: {  	v53 =	vor.u32 $0x4, v6;
	v8 =	vld.idx.msk [tilespmem:v52+s13+$0x0], $0xffff  }
0x1b4: {  	v54 =	vor.u32 v53, v7;
	_ =	sdelay $0x3  }
0x1b5: {  	[tilespmem:s23+$0xC0F0] =	vst v8  }
0x1b6: {  	v55 =	vor.u32 $0x5, v6;
	v8 =	vld.idx.msk [tilespmem:v54+s13+$0x0], $0xffff  }
0x1b7: {  	v56 =	vor.u32 v55, v7;
	_ =	sdelay $0x3  }
0x1b8: {  	[tilespmem:s23+$0xC100] =	vst v8  }
0x1b9: {  	v8 =	vld.idx.msk [tilespmem:v56+s13+$0x0], $0xffff  }
0x1ba: {  	v57 =	vor.u32 v53, v40;
	_ =	sdelay $0x3  }
0x1bb: {  	[tilespmem:s23+$0xC140] =	vst v8  }
0x1bc: {  	v8 =	vld.idx.msk [tilespmem:v57+s13+$0x0], $0xffff  }
0x1bd: {  	v58 =	vor.u32 v55, v40;
	_ =	sdelay $0x3  }
0x1be: {  	[tilespmem:s23+$0xC110] =	vst v8  }
0x1bf: {  	v8 =	vld.idx.msk [tilespmem:v58+s13+$0x0], $0xffff  }
0x1c0: {  	v59 =	vor.u32 v53, v42;
	_ =	sdelay $0x3  }
0x1c1: {  	[tilespmem:s23+$0xC150] =	vst v8  }
0x1c2: {  	v8 =	vld.idx.msk [tilespmem:v59+s13+$0x0], $0xffff  }
0x1c3: {  	v60 =	vor.u32 v55, v42;
	_ =	sdelay $0x3  }
0x1c4: {  	[tilespmem:s23+$0xC120] =	vst v8  }
0x1c5: {  	v8 =	vld.idx.msk [tilespmem:v60+s13+$0x0], $0xffff  }
0x1c6: {  	v9 =	vor.u32 v53, v5;
	_ =	sdelay $0x3  }
0x1c7: {  	[tilespmem:s23+$0xC160] =	vst v8  }
0x1c8: {  	v8 =	vld.idx.msk [tilespmem:v9+s13+$0x0], $0xffff  }
0x1c9: {  	v61 =	vor.u32 v55, v5;
	_ =	sdelay $0x3  }
0x1ca: {  	[tilespmem:s23+$0xC130] =	vst v8  }
0x1cb: {  	v62 =	vor.u32 $0x6, v6;
	v8 =	vld.idx.msk [tilespmem:v61+s13+$0x0], $0xffff  }
0x1cc: {  	v63 =	vor.u32 v62, v7;
	_ =	sdelay $0x3  }
0x1cd: {  	[tilespmem:s23+$0xC170] =	vst v8  }
0x1ce: {  	v6 =	vor.u32 $0x7, v6;
	v8 =	vld.idx.msk [tilespmem:v63+s13+$0x0], $0xffff  }
0x1cf: {  	v7 =	vor.u32 v6, v7;
	_ =	sdelay $0x3  }
0x1d0: {  	[tilespmem:s23+$0xC180] =	vst v8  }
0x1d1: {  	v7 =	vld.idx.msk [tilespmem:v7+s13+$0x0], $0xffff  }
0x1d2: {  	v8 =	vor.u32 v62, v40;
	_ =	sdelay $0x3  }
0x1d3: {  	[tilespmem:s23+$0xC1C0] =	vst v7  }
0x1d4: {  	v7 =	vld.idx.msk [tilespmem:v8+s13+$0x0], $0xffff  }
0x1d5: {  	v8 =	vor.u32 v6, v40;
	_ =	sdelay $0x3  }
0x1d6: {  	[tilespmem:s23+$0xC190] =	vst v7  }
0x1d7: {  	v7 =	vld.idx.msk [tilespmem:v8+s13+$0x0], $0xffff  }
0x1d8: {  	v8 =	vor.u32 v62, v42;
	_ =	sdelay $0x3  }
0x1d9: {  	[tilespmem:s23+$0xC1D0] =	vst v7  }
0x1da: {  	v7 =	vld.idx.msk [tilespmem:v8+s13+$0x0], $0xffff  }
0x1db: {  	v8 =	vor.u32 v6, v42;
	_ =	sdelay $0x3  }
0x1dc: {  	[tilespmem:s23+$0xC1A0] =	vst v7  }
0x1dd: {  	v7 =	vld.idx.msk [tilespmem:v8+s13+$0x0], $0xffff  }
0x1de: {  	v8 =	vor.u32 v62, v5;
	_ =	sdelay $0x3  }
0x1df: {  	[tilespmem:s23+$0xC1E0] =	vst v7  }
0x1e0: {  	v7 =	vld.idx.msk [tilespmem:v8+s13+$0x0], $0xffff  }
0x1e1: {  	v5 =	vor.u32 v6, v5;
	_ =	sdelay $0x2  }
0x1e2: {  	v4 =	vadd.s32 $0x8, v4  }
0x1e3: {  	s24 =	simm.s32 $0x800;
	s25 =	simm.s32 $0x1000;
	v6 =	vshll.u32 v4, $0x3;
	[tilespmem:s23+$0xC1B0] =	vst v7  }
.LBB2_8:
0x1e4: {  	p1 =	sne.s32 s25, $0xF800;
	v9 =	vand.u32 $0xFFFFFC00, v6;
	v7 =	vld.idx.msk [tilespmem:v5+s13+$0x0], $0xffff  }
0x1e5: {  	v6 =	vand.u32 $0x78, v4;
	v5 =	vadd.s32 v0, v9  }
0x1e6: {  	v8 =	vor.u32 v6, v5;
	_ =	sdelay $0x3  }
0x1e7: {  	[tilespmem:s23+$0xC1F0] =	vst v7  }
0x1e8: {  	v7 =	vld.idx.msk [tilespmem:v8+s13+$0x0], $0xffff  }
0x1e9: {  	v10 =	vor.u32 $0x1, v6  }
0x1ea: {  	v8 =	vor.u32 v10, v5;
	_ =	sdelay $0x2  }
0x1eb: {  	s23 =	sshra.s32 s24, $0x2;
	s24 =	smov.u32 s25  }
0x1ec: {  	[tilespmem:s23+$0xC000] =	vst v7  }
0x1ed: {  	v8 =	vld.idx.msk [tilespmem:v8+s13+$0x0], $0xffff  }
0x1ee: {  	v7 =	vadd.s32 v1, v9  }
0x1ef: {  	v11 =	vor.u32 v6, v7;
	_ =	sdelay $0x3  }
0x1f0: {  	[tilespmem:s23+$0xC040] =	vst v8  }
0x1f1: {  	v8 =	vld.idx.msk [tilespmem:v11+s13+$0x0], $0xffff;
	_ =	sdelay $0x1  }
0x1f2: {  	v11 =	vor.u32 v10, v7;
	_ =	sdelay $0x3  }
0x1f3: {  	[tilespmem:s23+$0xC010] =	vst v8  }
0x1f4: {  	v11 =	vld.idx.msk [tilespmem:v11+s13+$0x0], $0xffff  }
0x1f5: {  	v8 =	vadd.s32 v2, v9  }
0x1f6: {  	v12 =	vor.u32 v6, v8;
	_ =	sdelay $0x3  }
0x1f7: {  	[tilespmem:s23+$0xC050] =	vst v11  }
0x1f8: {  	v11 =	vld.idx.msk [tilespmem:v12+s13+$0x0], $0xffff;
	_ =	sdelay $0x1  }
0x1f9: {  	v12 =	vor.u32 v10, v8;
	_ =	sdelay $0x3  }
0x1fa: {  	[tilespmem:s23+$0xC020] =	vst v11  }
0x1fb: {  	v11 =	vld.idx.msk [tilespmem:v12+s13+$0x0], $0xffff  }
0x1fc: {  	v9 =	vadd.s32 v3, v9  }
0x1fd: {  	v12 =	vor.u32 v6, v9;
	_ =	sdelay $0x3  }
0x1fe: {  	[tilespmem:s23+$0xC060] =	vst v11  }
0x1ff: {  	v11 =	vld.idx.msk [tilespmem:v12+s13+$0x0], $0xffff;
	_ =	sdelay $0x1  }
0x200: {  	v10 =	vor.u32 v10, v9;
	_ =	sdelay $0x3  }
0x201: {  	[tilespmem:s23+$0xC030] =	vst v11  }
0x202: {  	v10 =	vld.idx.msk [tilespmem:v10+s13+$0x0], $0xffff  }
0x203: {  	v11 =	vor.u32 $0x2, v6  }
0x204: {  	v12 =	vor.u32 v11, v5;
	_ =	sdelay $0x3  }
0x205: {  	[tilespmem:s23+$0xC070] =	vst v10  }
0x206: {  	v10 =	vld.idx.msk [tilespmem:v12+s13+$0x0], $0xffff  }
0x207: {  	v12 =	vor.u32 $0x3, v6  }
0x208: {  	v13 =	vor.u32 v12, v5;
	_ =	sdelay $0x3  }
0x209: {  	[tilespmem:s23+$0xC080] =	vst v10  }
0x20a: {  	v10 =	vld.idx.msk [tilespmem:v13+s13+$0x0], $0xffff;
	_ =	sdelay $0x1  }
0x20b: {  	v13 =	vor.u32 v11, v7;
	_ =	sdelay $0x3  }
0x20c: {  	[tilespmem:s23+$0xC0C0] =	vst v10  }
0x20d: {  	v10 =	vld.idx.msk [tilespmem:v13+s13+$0x0], $0xffff;
	_ =	sdelay $0x1  }
0x20e: {  	v13 =	vor.u32 v12, v7;
	_ =	sdelay $0x3  }
0x20f: {  	[tilespmem:s23+$0xC090] =	vst v10  }
0x210: {  	v10 =	vld.idx.msk [tilespmem:v13+s13+$0x0], $0xffff;
	_ =	sdelay $0x1  }
0x211: {  	v13 =	vor.u32 v11, v8;
	_ =	sdelay $0x3  }
0x212: {  	[tilespmem:s23+$0xC0D0] =	vst v10  }
0x213: {  	v10 =	vld.idx.msk [tilespmem:v13+s13+$0x0], $0xffff;
	_ =	sdelay $0x1  }
0x214: {  	v13 =	vor.u32 v12, v8;
	_ =	sdelay $0x3  }
0x215: {  	[tilespmem:s23+$0xC0A0] =	vst v10  }
0x216: {  	v10 =	vld.idx.msk [tilespmem:v13+s13+$0x0], $0xffff;
	_ =	sdelay $0x1  }
0x217: {  	v11 =	vor.u32 v11, v9;
	_ =	sdelay $0x3  }
0x218: {  	[tilespmem:s23+$0xC0E0] =	vst v10  }
0x219: {  	v10 =	vld.idx.msk [tilespmem:v11+s13+$0x0], $0xffff;
	_ =	sdelay $0x1  }
0x21a: {  	v11 =	vor.u32 v12, v9;
	_ =	sdelay $0x3  }
0x21b: {  	[tilespmem:s23+$0xC0B0] =	vst v10  }
0x21c: {  	v10 =	vld.idx.msk [tilespmem:v11+s13+$0x0], $0xffff  }
0x21d: {  	v11 =	vor.u32 $0x4, v6  }
0x21e: {  	v12 =	vor.u32 v11, v5;
	_ =	sdelay $0x3  }
0x21f: {  	[tilespmem:s23+$0xC0F0] =	vst v10  }
0x220: {  	v10 =	vld.idx.msk [tilespmem:v12+s13+$0x0], $0xffff  }
0x221: {  	v12 =	vor.u32 $0x5, v6  }
0x222: {  	v13 =	vor.u32 v12, v5;
	_ =	sdelay $0x3  }
0x223: {  	[tilespmem:s23+$0xC100] =	vst v10  }
0x224: {  	v10 =	vld.idx.msk [tilespmem:v13+s13+$0x0], $0xffff;
	_ =	sdelay $0x1  }
0x225: {  	v13 =	vor.u32 v11, v7;
	_ =	sdelay $0x3  }
0x226: {  	[tilespmem:s23+$0xC140] =	vst v10  }
0x227: {  	v10 =	vld.idx.msk [tilespmem:v13+s13+$0x0], $0xffff;
	_ =	sdelay $0x1  }
0x228: {  	v13 =	vor.u32 v12, v7;
	_ =	sdelay $0x3  }
0x229: {  	[tilespmem:s23+$0xC110] =	vst v10  }
0x22a: {  	v10 =	vld.idx.msk [tilespmem:v13+s13+$0x0], $0xffff;
	_ =	sdelay $0x1  }
0x22b: {  	v13 =	vor.u32 v11, v8;
	_ =	sdelay $0x3  }
0x22c: {  	[tilespmem:s23+$0xC150] =	vst v10  }
0x22d: {  	v10 =	vld.idx.msk [tilespmem:v13+s13+$0x0], $0xffff;
	_ =	sdelay $0x1  }
0x22e: {  	v13 =	vor.u32 v12, v8;
	_ =	sdelay $0x3  }
0x22f: {  	[tilespmem:s23+$0xC120] =	vst v10  }
0x230: {  	v10 =	vld.idx.msk [tilespmem:v13+s13+$0x0], $0xffff;
	_ =	sdelay $0x1  }
0x231: {  	v11 =	vor.u32 v11, v9;
	_ =	sdelay $0x3  }
0x232: {  	[tilespmem:s23+$0xC160] =	vst v10  }
0x233: {  	v10 =	vld.idx.msk [tilespmem:v11+s13+$0x0], $0xffff;
	_ =	sdelay $0x1  }
0x234: {  	v11 =	vor.u32 v12, v9;
	_ =	sdelay $0x3  }
0x235: {  	[tilespmem:s23+$0xC130] =	vst v10  }
0x236: {  	v10 =	vld.idx.msk [tilespmem:v11+s13+$0x0], $0xffff  }
0x237: {  	v11 =	vor.u32 $0x6, v6  }
0x238: {  	v12 =	vor.u32 v11, v5;
	_ =	sdelay $0x3  }
0x239: {  	[tilespmem:s23+$0xC170] =	vst v10  }
0x23a: {  	v10 =	vld.idx.msk [tilespmem:v12+s13+$0x0], $0xffff  }
0x23b: {  	v6 =	vor.u32 $0x7, v6  }
0x23c: {  	v5 =	vor.u32 v6, v5;
	_ =	sdelay $0x3  }
0x23d: {  	[tilespmem:s23+$0xC180] =	vst v10  }
0x23e: {  	v5 =	vld.idx.msk [tilespmem:v5+s13+$0x0], $0xffff;
	_ =	sdelay $0x1  }
0x23f: {  	v10 =	vor.u32 v11, v7;
	_ =	sdelay $0x3  }
0x240: {  	[tilespmem:s23+$0xC1C0] =	vst v5  }
0x241: {  	v5 =	vld.idx.msk [tilespmem:v10+s13+$0x0], $0xffff;
	_ =	sdelay $0x1  }
0x242: {  	v7 =	vor.u32 v6, v7;
	_ =	sdelay $0x3  }
0x243: {  	[tilespmem:s23+$0xC190] =	vst v5  }
0x244: {  	v5 =	vld.idx.msk [tilespmem:v7+s13+$0x0], $0xffff;
	_ =	sdelay $0x1  }
0x245: {  	v7 =	vor.u32 v11, v8;
	_ =	sdelay $0x3  }
0x246: {  	[tilespmem:s23+$0xC1D0] =	vst v5  }
0x247: {  	v5 =	vld.idx.msk [tilespmem:v7+s13+$0x0], $0xffff;
	_ =	sdelay $0x1  }
0x248: {  	v7 =	vor.u32 v6, v8;
	_ =	sdelay $0x3  }
0x249: {  	[tilespmem:s23+$0xC1A0] =	vst v5  }
0x24a: {  	v5 =	vld.idx.msk [tilespmem:v7+s13+$0x0], $0xffff;
	_ =	sdelay $0x1  }
0x24b: {  	v7 =	vor.u32 v11, v9;
	_ =	sdelay $0x3  }
0x24c: {  	[tilespmem:s23+$0xC1E0] =	vst v5  }
0x24d: {  	v7 =	vld.idx.msk [tilespmem:v7+s13+$0x0], $0xffff;
	_ =	sdelay $0x1  }
.Ltmp7:
0x24e: {  	v5 =	vor.u32 v6, v9;
	(pc) =	sbr.rel @p1 .LBB2_8-.Ltmp7, $3  }
0x24f: {  	_ =	sdelay $0x1  }
0x250: {  	v4 =	vadd.s32 $0x8, v4  }
0x251: {  	s25 =	sadd.s32 $0x800, s25;
	v6 =	vshll.u32 v4, $0x3;
	[tilespmem:s23+$0xC1B0] =	vst v7  }
0x252: {  	_ =	sdelay $0x2  }
0x253: {  	v6 =	vand.u32 $0xFFFFFC00, v6  }
0x254: {  	v5 =	vld.idx.msk [tilespmem:v5+s13+$0x0], $0xffff;
	v4 =	vand.u32 $0x78, v4;
	v7 =	vadd.s32 v0, v6  }
0x255: {  	v8 =	vor.u32 v4, v7;
	_ =	sdelay $0x3  }
0x256: {  	[tilespmem:s23+$0xC1F0] =	vst v5  }
0x257: {  	v34 =	vor.u32 $0x1, v4;
	v5 =	vld.idx.msk [tilespmem:v8+s13+$0x0], $0xffff  }
0x258: {  	v9 =	vor.u32 v34, v7;
	_ =	sdelay $0x2  }
0x259: {  	s29 =	sshra.s32 s24, $0x2  }
0x25a: {  	[tilespmem:s29+$0xC000] =	vst v5  }
0x25b: {  	v35 =	vadd.s32 v1, v6;
	v5 =	vld.idx.msk [tilespmem:v9+s13+$0x0], $0xffff  }
0x25c: {  	v10 =	vor.u32 v4, v35;
	_ =	sdelay $0x3  }
0x25d: {  	[tilespmem:s29+$0xC040] =	vst v5  }
0x25e: {  	v5 =	vld.idx.msk [tilespmem:v10+s13+$0x0], $0xffff  }
0x25f: {  	v36 =	vor.u32 v34, v35;
	_ =	sdelay $0x3  }
0x260: {  	[tilespmem:s29+$0xC010] =	vst v5  }
0x261: {  	v37 =	vadd.s32 v2, v6;
	v5 =	vld.idx.msk [tilespmem:v36+s13+$0x0], $0xffff  }
0x262: {  	v11 =	vor.u32 v4, v37;
	_ =	sdelay $0x3  }
0x263: {  	[tilespmem:s29+$0xC050] =	vst v5  }
0x264: {  	v5 =	vld.idx.msk [tilespmem:v11+s13+$0x0], $0xffff  }
0x265: {  	v38 =	vor.u32 v34, v37;
	_ =	sdelay $0x3  }
0x266: {  	[tilespmem:s29+$0xC020] =	vst v5  }
0x267: {  	v6 =	vadd.s32 v3, v6;
	v5 =	vld.idx.msk [tilespmem:v38+s13+$0x0], $0xffff  }
0x268: {  	v39 =	vor.u32 v4, v6;
	_ =	sdelay $0x3  }
0x269: {  	[tilespmem:s29+$0xC060] =	vst v5  }
0x26a: {  	v5 =	vld.idx.msk [tilespmem:v39+s13+$0x0], $0xffff  }
0x26b: {  	v8 =	vor.u32 v34, v6;
	_ =	sdelay $0x3  }
0x26c: {  	[tilespmem:s29+$0xC030] =	vst v5  }
0x26d: {  	v40 =	vor.u32 $0x2, v4;
	v5 =	vld.idx.msk [tilespmem:v8+s13+$0x0], $0xffff  }
0x26e: {  	v41 =	vor.u32 v40, v7;
	_ =	sdelay $0x3  }
0x26f: {  	[tilespmem:s29+$0xC070] =	vst v5  }
0x270: {  	v42 =	vor.u32 $0x3, v4;
	v5 =	vld.idx.msk [tilespmem:v41+s13+$0x0], $0xffff  }
0x271: {  	v12 =	vor.u32 v42, v7;
	_ =	sdelay $0x3  }
0x272: {  	[tilespmem:s29+$0xC080] =	vst v5  }
0x273: {  	v5 =	vld.idx.msk [tilespmem:v12+s13+$0x0], $0xffff  }
0x274: {  	v43 =	vor.u32 v40, v35;
	_ =	sdelay $0x3  }
0x275: {  	[tilespmem:s29+$0xC0C0] =	vst v5  }
0x276: {  	v5 =	vld.idx.msk [tilespmem:v43+s13+$0x0], $0xffff  }
0x277: {  	v44 =	vor.u32 v42, v35;
	_ =	sdelay $0x3  }
0x278: {  	[tilespmem:s29+$0xC090] =	vst v5  }
0x279: {  	v5 =	vld.idx.msk [tilespmem:v44+s13+$0x0], $0xffff  }
0x27a: {  	v45 =	vor.u32 v40, v37;
	_ =	sdelay $0x3  }
0x27b: {  	[tilespmem:s29+$0xC0D0] =	vst v5  }
0x27c: {  	v5 =	vld.idx.msk [tilespmem:v45+s13+$0x0], $0xffff  }
0x27d: {  	v46 =	vor.u32 v42, v37;
	_ =	sdelay $0x3  }
0x27e: {  	[tilespmem:s29+$0xC0A0] =	vst v5  }
0x27f: {  	v5 =	vld.idx.msk [tilespmem:v46+s13+$0x0], $0xffff  }
0x280: {  	v8 =	vor.u32 v40, v6;
	_ =	sdelay $0x3  }
0x281: {  	[tilespmem:s29+$0xC0E0] =	vst v5  }
0x282: {  	v5 =	vld.idx.msk [tilespmem:v8+s13+$0x0], $0xffff  }
0x283: {  	v47 =	vor.u32 v42, v6;
	_ =	sdelay $0x3  }
0x284: {  	[tilespmem:s29+$0xC0B0] =	vst v5  }
0x285: {  	v48 =	vor.u32 $0x4, v4;
	v5 =	vld.idx.msk [tilespmem:v47+s13+$0x0], $0xffff  }
0x286: {  	v49 =	vor.u32 v48, v7;
	_ =	sdelay $0x3  }
0x287: {  	[tilespmem:s29+$0xC0F0] =	vst v5  }
0x288: {  	v50 =	vor.u32 $0x5, v4;
	v5 =	vld.idx.msk [tilespmem:v49+s13+$0x0], $0xffff  }
0x289: {  	v51 =	vor.u32 v50, v7;
	_ =	sdelay $0x3  }
0x28a: {  	[tilespmem:s29+$0xC100] =	vst v5  }
0x28b: {  	v5 =	vld.idx.msk [tilespmem:v51+s13+$0x0], $0xffff  }
0x28c: {  	v52 =	vor.u32 v48, v35;
	_ =	sdelay $0x3  }
0x28d: {  	[tilespmem:s29+$0xC140] =	vst v5  }
0x28e: {  	v5 =	vld.idx.msk [tilespmem:v52+s13+$0x0], $0xffff  }
0x28f: {  	v53 =	vor.u32 v50, v35;
	_ =	sdelay $0x3  }
0x290: {  	[tilespmem:s29+$0xC110] =	vst v5  }
0x291: {  	v5 =	vld.idx.msk [tilespmem:v53+s13+$0x0], $0xffff  }
0x292: {  	v54 =	vor.u32 v48, v37;
	_ =	sdelay $0x3  }
0x293: {  	[tilespmem:s29+$0xC150] =	vst v5  }
0x294: {  	v5 =	vld.idx.msk [tilespmem:v54+s13+$0x0], $0xffff  }
0x295: {  	v55 =	vor.u32 v50, v37;
	_ =	sdelay $0x3  }
0x296: {  	[tilespmem:s29+$0xC120] =	vst v5  }
0x297: {  	v5 =	vld.idx.msk [tilespmem:v55+s13+$0x0], $0xffff  }
0x298: {  	v8 =	vor.u32 v48, v6;
	_ =	sdelay $0x3  }
0x299: {  	[tilespmem:s29+$0xC160] =	vst v5  }
0x29a: {  	v5 =	vld.idx.msk [tilespmem:v8+s13+$0x0], $0xffff  }
0x29b: {  	v56 =	vor.u32 v50, v6;
	_ =	sdelay $0x3  }
0x29c: {  	[tilespmem:s29+$0xC130] =	vst v5  }
0x29d: {  	v57 =	vor.u32 $0x6, v4;
	v5 =	vld.idx.msk [tilespmem:v56+s13+$0x0], $0xffff  }
0x29e: {  	v58 =	vor.u32 v57, v7;
	_ =	sdelay $0x3  }
0x29f: {  	[tilespmem:s29+$0xC170] =	vst v5  }
0x2a0: {  	v4 =	vor.u32 $0x7, v4;
	v5 =	vld.idx.msk [tilespmem:v58+s13+$0x0], $0xffff  }
0x2a1: {  	v7 =	vor.u32 v4, v7;
	_ =	sdelay $0x3  }
0x2a2: {  	[tilespmem:s29+$0xC180] =	vst v5  }
0x2a3: {  	v5 =	vld.idx.msk [tilespmem:v7+s13+$0x0], $0xffff  }
0x2a4: {  	v59 =	vor.u32 v57, v35;
	_ =	sdelay $0x3  }
0x2a5: {  	[tilespmem:s29+$0xC1C0] =	vst v5  }
0x2a6: {  	v5 =	vld.idx.msk [tilespmem:v59+s13+$0x0], $0xffff  }
0x2a7: {  	v60 =	vor.u32 v4, v35;
	_ =	sdelay $0x3  }
0x2a8: {  	[tilespmem:s29+$0xC190] =	vst v5  }
0x2a9: {  	v5 =	vld.idx.msk [tilespmem:v60+s13+$0x0], $0xffff  }
0x2aa: {  	v61 =	vor.u32 v57, v37;
	_ =	sdelay $0x3  }
0x2ab: {  	[tilespmem:s29+$0xC1D0] =	vst v5  }
0x2ac: {  	v5 =	vld.idx.msk [tilespmem:v61+s13+$0x0], $0xffff  }
0x2ad: {  	v62 =	vor.u32 v4, v37;
	_ =	sdelay $0x3  }
0x2ae: {  	[tilespmem:s29+$0xC1A0] =	vst v5  }
0x2af: {  	v5 =	vld.idx.msk [tilespmem:v62+s13+$0x0], $0xffff  }
0x2b0: {  	v63 =	vor.u32 v57, v6;
	_ =	sdelay $0x3  }
0x2b1: {  	[tilespmem:s29+$0xC1E0] =	vst v5  }
0x2b2: {  	v5 =	vld.idx.msk [tilespmem:v63+s13+$0x0], $0xffff  }
0x2b3: {  	v4 =	vor.u32 v4, v6;
	_ =	sdelay $0x3  }
0x2b4: {  	[tilespmem:s29+$0xC1B0] =	vst v5  }
0x2b5: {  	v4 =	vld.idx.msk [tilespmem:v4+s13+$0x0], $0xffff;
	_ =	sdelay $0x3  }
.Ltmp8:
0x2b6: {  	s30 =	sshll.u32 s22, $0xB;
	p1 =	sgt.u32 s22, $0xF01;
	(pc) =	sbr.rel .LBB2_10-.Ltmp8, $4  }
0x2b7: {  	s31 =	sadd.s32 s5, s30;
	s22 =	sshll.u32 @!p1 s22, $0x8;
	s24 =	simm.s32 @!p1 $0x7A1400;
	[tilespmem:s29+$0xC1F0] =	vst v4  }
0x2b8: {  	[hbm4b:s31+s2] =	stream.linear.scatter [tilespmem:s17], [sflag:$0x4], $0x4000, $0x38;
	[tilespmem:$0x10000] =	vst v63  }
0x2b9: {  	s25 =	simm.s32 @!p1 $0x4000;
	s22 =	sadd.s32 @!p1 s22, s8;
	s23 =	simm.s32 @!p1 $0x800  }
0x2ba: {  	[tilespmem:s25], [sflag:$0x2] =	stream.strided.gather @!p1 [hbm4b:s22+s23], $0x4000, s24, s23, $0x38;
	[tilespmem:$0x10000] =	vst v63  }
.LBB2_12:
0x2bb: {  	_ =	sfence.sel $0x180000  }
0x2bc: {  	[bflag:$0x0] =	sbarrier.arrive $0xFFFF  }
0x2bd: {  	p0 =	sne.s32 s1, $0x0;
	_ =	strace $0x90000047  }
0x2be: {  	s0 =	sadd.s32 @!p0 $0x100000, s0;
	[bflag:$0x2] =	sbarrier.arrive $0xFFFF  }
0x2bf: {  	[sflag:s0] =	ssyncadd.tile.s32 @!p0 $0x1;
	_ =	shalt  }
.Lfunc_end2:
_tile_overlayer_lowered:
.L_overlay_start_2:
0x2c0: {  	(tag) =	ssettag $0x2  }
0x2c1: {  	s0 =	rddreg [dreg:$0x0];
	s2 =	stileid.u32  }
0x2c2: {  	s1 =	rddreg [dreg:$0x1];
	p0 =	sne.s32 s2, $0x0  }
0x2c3: {  	s3 =	rddreg [dreg:$0x2];
	[bflag:$0x3] =	sbarrier.arrive $0xFFFF;
	s2 =	simm.s32 @!p0 $0x1C05  }
0x2c4: {  	[timem:s3], [sflag:s2] =	dma.local @!p0 [hbm:s0], s1  }
0x2c5: {  	s0 =	simm.s32 @!p0 $0x5  }
0x2c6: {  	_ =	swait.ge @!p0 [sflag:s0], s1  }
0x2c7: {  	s1 =	ssub.s32 @!p0 $0x0, s1;
	[sflag:s0] =	ssyncset.done @!p0 $0x0  }
0x2c8: {  	[sflag:s0] =	ssyncadd.s32 @!p0 s1  }
0x2c9: {  	[bflag:$0x3] =	sbarrier.arrive $0xFFFF  }
0x2ca: {  	_ =	shalt  }

// kernel: kernel.7.cloned.1.call-start
scs
__scs_entry_jumppad:
0x0: {  	(pc) =	sbr.rel $0x88, $3  }
0x1: {  	(tag) =	ssettag $0x0;
	lr =	simm.s32 $0x1  }
0x2: {  	[smem:$0x3F9F] =	sst lr;
	_ =	strace $0xD0000000  }
0x3: {  	_ = 	snop  }
0x4: {  	_ = 	snop  }
0x5: {  	_ = 	snop  }
0x6: {  	_ = 	snop  }
0x7: {  	_ = 	snop  }
__scs_overlays_trampoline_lowered:
0x8: {  	[smem:$0x3FAE] =	sst s0  }
0x9: {  	[smem:$0x3FAF] =	sst s1  }
0xa: {  	[smem:$0x3FB0] =	sst s2  }
0xb: {  	[smem:$0x3FB1] =	sst s3  }
0xc: {  	[smem:$0x3FB2] =	sst s4  }
0xd: {  	[smem:$0x3FB3] =	sst s5  }
0xe: {  	[smem:$0x3FB4] =	sst s6  }
0xf: {  	[smem:$0x3FB5] =	sst s7  }
0x10: {  	[smem:$0x3FB6] =	sst s8  }
0x11: {  	[smem:$0x3FB7] =	sst s9;
	s0 =	simm.s32 @!p0 $0x0  }
0x12: {  	s1 =	sld [smem:$0x3F9D];
	s0 =	simm.s32 @p0 $0x1  }
0x13: {  	[smem:$0x3FB8] =	sst s0;
	s0 =	simm.s32 @!p1 $0x0  }
0x14: {  	s2 =	sld [smem:$0x3F9C];
	s0 =	simm.s32 @p1 $0x1  }
0x15: {  	[smem:$0x3FB9] =	sst s0;
	s0 =	simm.s32 @!p2 $0x0  }
0x16: {  	s3 =	sld [smem:$0x3FDB];
	s0 =	simm.s32 @p2 $0x1  }
0x17: {  	s4 =	simm.s32 $0x1BF5;
	[smem:$0x3FBB] =	sst s0  }
0x18: {  	s0 =	sld [smem:$0x3F9E];
	_ =	swait.ge [sflag:s4], $0x0  }
0x19: {  	s7 =	sld [smem:$0x3F9F]  }
0x1a: {  	s8 =	sadd.s32 $0xFFFFE003, lr  }
0x1b: {  	s9 =	sadd.s32 $0xFFFFFEF7, lr;
	s5 =	simm.s32 $0xFFFFFFFF;
	p2 =	slt.u32 s8, $0xFFFFF086  }
0x1c: {  	p1 =	slt.u32 s9, $0xF7A;
	s5 =	simm.s32 @!p2 $0x0  }
0x1d: {  	s5 =	simm.s32 @p1 $0x1;
	p0 =	seq.s32 s7, s2  }
0x1e: {  	s7 =	smul.u32 @!p0 $0xF7A, s2;
	p2 =	seq.s32 @!p0 s5, $0x0  }
0x1f: {  	s9 =	smul.u32 $0xF7A, s1;
	s8 =	simm.s32 @!p0 $0x1BF5;
	p2 =	por !p2, p0  }
0x20: {  	[sflag:s8] =	ssyncset.s32 @!p0 $0xFFFFF086;
	s6 =	sadd.s32 @!p0 s3, s7;
	s7 =	simm.s32 @!p0 $0x108  }
0x21: {  	s3 =	sadd.s32 s3, s9;
	s6 =	sadd.s32 @!p0 $0x88, s6;
	s7 =	simm.s32 @p2 $0x1082  }
0x22: {  	[simem:s7], [sflag:s8] =	dma.local @!p0 [hbm:s6], $0xF7A  }
0x23: {  	s9 =	sor.u32 $0xD0000000, s2;
	s6 =	simm.s32 $0x108;
	_ =	swait.ge @!p0 [sflag:s8], $0x0  }
0x24: {  	s3 =	sadd.s32 $0x88, s3;
	s6 =	simm.s32 @!p1 $0x1082;
	[sflag:s4] =	ssyncset.s32 $0xFFFFF086  }
0x25: {  	[simem:s6], [sflag:s4] =	dma.local [hbm:s3], $0xF7A  }
0x26: {  	[smem:$0x3F9F] =	sst s1;
	(tag) =	ssettag s2;
	_ =	strace s9  }
0x27: {  	s1 =	sld [smem:$0x3FAF]  }
0x28: {  	s2 =	sld [smem:$0x3FB0]  }
0x29: {  	s4 =	sld [smem:$0x3FB2]  }
0x2a: {  	p0 =	seq.s32 s5, $0x0;
	s5 =	sld [smem:$0x3FB3]  }
0x2b: {  	s6 =	sld [smem:$0x3FB4]  }
0x2c: {  	s7 =	sld [smem:$0x3FB5]  }
0x2d: {  	s3 =	simm.s32 $0x108;
	s8 =	sld [smem:$0x3FB6]  }
0x2e: {  	s3 =	simm.s32 @!p0 $0x1082;
	s9 =	sld [smem:$0x3FB7]  }
0x2f: {  	lr =	sadd.s32 s0, s3;
	s0 =	sld [smem:$0x3FAE]  }
0x30: {  	s3 =	sld [smem:$0x3FB1]  }
0x31: {  	[smem:$0x3FBA] =	sst s10  }
0x32: {  	s10 =	sld [smem:$0x3FB8];
	_ =	sdelay $0x3  }
0x33: {  	p0 =	seq.s32 s10, $0x1;
	s10 =	sld [smem:$0x3FBA];
	_ =	sdelay $0x3  }
0x34: {  	[smem:$0x3FBA] =	sst s10  }
0x35: {  	s10 =	sld [smem:$0x3FB9];
	_ =	sdelay $0x3  }
0x36: {  	p1 =	seq.s32 s10, $0x1;
	s10 =	sld [smem:$0x3FBA];
	_ =	sdelay $0x3  }
0x37: {  	[smem:$0x3FBA] =	sst s10  }
0x38: {  	s10 =	sld [smem:$0x3FBB]  }
0x39: {  	_ = 	snop;
	(pc) =	sbr.ind lr, $3  }
0x3a: {  	_ = 	snop  }
0x3b: {  	_ = 	snop  }
0x3c: {  	p2 =	seq.s32 s10, $0x1;
	s10 =	sld [smem:$0x3FBA]  }
0x3d: {  	_ =	shalt  }
0x3e: {  	_ =	shalt  }
0x3f: {  	_ =	shalt  }
0x40: {  	_ =	shalt  }
0x41: {  	_ =	shalt  }
0x42: {  	_ =	shalt  }
0x43: {  	_ =	shalt  }
0x44: {  	_ =	shalt  }
0x45: {  	_ =	shalt  }
0x46: {  	_ =	shalt  }
0x47: {  	_ =	shalt  }
0x48: {  	_ =	shalt  }
0x49: {  	_ =	shalt  }
0x4a: {  	_ =	shalt  }
0x4b: {  	_ =	shalt  }
0x4c: {  	_ =	shalt  }
0x4d: {  	_ =	shalt  }
0x4e: {  	_ =	shalt  }
0x4f: {  	_ =	shalt  }
0x50: {  	_ =	shalt  }
0x51: {  	_ =	shalt  }
0x52: {  	_ =	shalt  }
0x53: {  	_ =	shalt  }
0x54: {  	_ =	shalt  }
0x55: {  	_ =	shalt  }
0x56: {  	_ =	shalt  }
0x57: {  	_ =	shalt  }
0x58: {  	_ =	shalt  }
0x59: {  	_ =	shalt  }
0x5a: {  	_ =	shalt  }
0x5b: {  	_ =	shalt  }
0x5c: {  	_ =	shalt  }
0x5d: {  	_ =	shalt  }
0x5e: {  	_ =	shalt  }
0x5f: {  	_ =	shalt  }
0x60: {  	_ =	shalt  }
0x61: {  	_ =	shalt  }
0x62: {  	_ =	shalt  }
0x63: {  	_ =	shalt  }
0x64: {  	_ =	shalt  }
0x65: {  	_ =	shalt  }
0x66: {  	_ =	shalt  }
0x67: {  	_ =	shalt  }
0x68: {  	_ =	shalt  }
0x69: {  	_ =	shalt  }
0x6a: {  	_ =	shalt  }
0x6b: {  	_ =	shalt  }
0x6c: {  	_ =	shalt  }
0x6d: {  	_ =	shalt  }
0x6e: {  	_ =	shalt  }
0x6f: {  	_ =	shalt  }
0x70: {  	_ =	shalt  }
0x71: {  	_ =	shalt  }
0x72: {  	_ =	shalt  }
0x73: {  	_ =	shalt  }
0x74: {  	_ =	shalt  }
0x75: {  	_ =	shalt  }
0x76: {  	_ =	shalt  }
0x77: {  	_ =	shalt  }
0x78: {  	_ =	shalt  }
0x79: {  	_ =	shalt  }
0x7a: {  	_ =	shalt  }
0x7b: {  	_ =	shalt  }
0x7c: {  	_ =	shalt  }
0x7d: {  	_ =	shalt  }
0x7e: {  	_ =	shalt  }
0x7f: {  	_ =	shalt  }
0x80: {  	_ =	shalt  }
0x81: {  	_ =	shalt  }
0x82: {  	_ =	shalt  }
0x83: {  	_ =	shalt  }
0x84: {  	_ =	shalt  }
0x85: {  	_ =	shalt  }
0x86: {  	_ =	shalt  }
0x87: {  	_ =	shalt  }
.Lfunc_end0:
.L_simem_size_0:
called_computation.2_lowered:
.L_overlay_start_0:
0x88: {  	s2 =	sld [smem:$0x3FD9]  }
0x89: {  	s3 =	sld [smem:$0x3FFE];
	_ =	sdelay $0x1  }
0x8a: {  	s1 =	srdreg.scid  }
0x8b: {  	s0 =	sand.u32 $0x1, s1  }
0x8c: {  	s17 =	sshll.u32 s0, $0xA;
	s2 =	sadd.s32 s3, s2  }
0x8d: {  	s2 =	sadd.s32 s2, s17  }
0x8e: {  	[smem:$0x3FC6] =	sst s2  }
0x8f: {  	_ = 	snop  }
0x90: {  	s2 =	sld [smem:$0x3FD0];
	(tm) =	ssettm $0x1  }
0x91: {  	s18 =	sld [smem:$0x3FFB];
	_ =	sdelay $0x3  }
0x92: {  	_ =	strace s18  }
0x93: {  	s3 =	sld [smem:$0x3FFC];
	_ =	sdelay $0x3  }
0x94: {  	_ =	strace s3  }
0x95: {  	s3 =	sld [smem:$0x3FFD];
	_ =	sdelay $0x3  }
0x96: {  	_ =	strace s3  }
0x97: {  	_ =	strace $0x8FFFFFFF  }
0x98: {  	s19 =	sld [smem:$0x3FDB];
	_ =	sdelay $0x1  }
0x99: {  	s4 =	simm.s32 $_scs_section_size  }
0x9a: {  	s5 =	simm.s32 $_size__tile_overlayer_lowered;
	s6 =	simm.s32 $_tile_overlayer_lowered  }
0x9b: {  	s22 =	simm.s32 $0x1BFF;
	s21 =	sshll.u32 s6, $0x1;
	s3 =	sadd.s32 s4, s19  }
0x9c: {  	s7 =	simm.s32 $0x0;
	s20 =	sshll.u32 s5, $0x1;
	s5 =	sadd.s32 s21, s3  }
0x9d: {  	[timem:s7], [sflag:s22] =	dma.local [hbm:s5], s20  }
0x9e: {  	_ =	swait.ge [sflag:s22], s20  }
0x9f: {  	s4 =	ssub.s32 $0x0, s20;
	[sflag:s22] =	ssyncset.done $0x0  }
0xa0: {  	[sflag:s22] =	ssyncadd.s32 s4;
	_ =	sdelay $0x1  }
0xa1: {  	s23 =	simm.s32 $0x1B8B  }
0xa2: {  	_ =	swait.ge [sflag:s23], $0x1  }
0xa3: {  	[sflag:s23] =	ssyncset.done $0x0  }
0xa4: {  	s25 =	simm.s32 $0x1B8E;
	s24 =	sld [smem:$0x3FFE];
	[sflag:s23] =	ssyncadd.s32 $0xFFFFFFFF  }
0xa5: {  	s26 =	simm.s32 $execute0_lowered;
	[smem:$0x3FD2] =	sst s25  }
0xa6: {  	s5 =	sshll.u32 s26, $0x1;
	_ =	strace $0x80000049;
	[dreg:$0x1] =	wrdreg $0xFFFFFFFF  }
0xa7: {  	s28 =	simm.s32 $_size_execute0_lowered;
	s3 =	sadd.s32 s3, s5;
	[dreg:$0x0] =	wrdreg $0x0  }
0xa8: {  	s5 =	sshll.u32 s28, $0x1;
	[dreg:$0x2] =	wrdreg s3  }
0xa9: {  	[dreg:$0x3] =	wrdreg s5  }
0xaa: {  	[dreg:$0x4] =	wrdreg $0xC0  }
0xab: {  	_ =	task [dreg:s7], $0x5FFFF  }
0xac: {  	[dreg:$0x1] =	wrdreg $0xFFFFFFFF  }
0xad: {  	[dreg:$0x0] =	wrdreg $0x60  }
0xae: {  	[dreg:$0x2] =	wrdreg s2  }
0xaf: {  	[dreg:$0x3] =	wrdreg s24  }
0xb0: {  	[dreg:$0x4] =	wrdreg $0x9  }
0xb1: {  	_ =	task.clear_ibuf [dreg:s7], $0x5FFFF;
	_ =	strace $0x90000049  }
0xb2: {  	s29 =	simm.s32 $0x9;
	_ =	strace $0x8000004B  }
0xb3: {  	_ =	swait.ge [sflag:s29], $0x1  }
0xb4: {  	[sflag:s29] =	ssyncadd.s32 $0xFFFFFFFF  }
0xb5: {  	_ =	strace $0x9000004B  }
0xb6: {  	_ =	sfence  }
0xb7: {  	s30 =	sld [smem:$0x0];
	_ =	sdelay $0x2  }
0xb8: {  	s31 =	sshll.u32 s1, $0xD;
	s1 =	sshrl.u32 s1, $0x2  }
0xb9: {  	s3 =	sand.u32 $0x4000, s31;
	s1 =	sadd.s32 s1, s30  }
0xba: {  	s0 =	sor.u32 s3, s0;
	s1 =	sshll.u32 s1, $0x11  }
0xbb: {  	s0 =	sor.u32 s1, s0  }
0xbc: {  	s0 =	sadd.s32 $0x8F2B, s0  }
0xbd: {  	[sflag:s0] =	ssyncadd.remote.s32 $0x1  }
0xbe: {  	_ =	sfence.sel $0xFFFF  }
0xbf: {  	[dreg:$0x0] =	wrdreg $0xFFFFFFFF;
	(pc) =	sbr.abs _section_cstart, $3  }
0xc0: {  	[dreg:$0x1] =	wrdreg $0xFFFFFFFF  }
0xc1: {  	_ =	task.clear_ibuf [dreg:s7], $0x2FFFF;
	_ =	strace $0x9FFFFFFF  }
0xc2: {  	(tm) =	ssettm $0x7FFFFFFF  }
0xc3: {  	_ =	shalt  }
tec
execute0_lowered:
.L_overlay_start_1:
0x0: {  	(tag) =	ssettag $0x1  }
0x1: {  	s0 =	rddreg [dreg:$0x0];
	s1 =	srdreg.scid  }
0x2: {  	s8 =	stileid.u32;
	s4 =	rddreg [dreg:$0x1]  }
0x3: {  	s2 =	simm.s32 $0x0;
	s11 =	simm.s32 $0x80;
	s12 =	simm.s32 $0x6400  }
0x4: {  	s13 =	simm.s32 $0x8400;
	s15 =	simm.s32 $0xA400;
	s17 =	simm.s32 $0xC400  }
0x5: {  	s18 =	simm.s32 $0x1;
	s19 =	simm.s32 $0xE400;
	s20 =	simm.s32 $0x10400  }
0x6: {  	s21 =	simm.s32 $0x12400;
	s22 =	simm.s32 $0x14400;
	s23 =	simm.s32 $0x40  }
0x7: {  	s24 =	simm.s32 $0x2;
	s28 =	simm.s32 $0x6300;
	s29 =	simm.s32 $0x6380  }
0x8: {  	s30 =	simm.s32 $0x0;
	s1 =	sand.u32 $0x1, s1;
	s3 =	sshll.u32 s8, $0x1  }
0x9: {  	[smem:$0x7FF] =	sst s2;
	s8 =	smul.u32 $0x640000, s8;
	s9 =	sadd.s32 $0x7A2200, s4  }
0xa: {  	s3 =	sor.u32 s1, s3;
	s7 =	ssub.s32 $0x2, s1;
	s1 =	smul.u32 $0x320000, s1  }
0xb: {  	_ =	strace $0x8000004A;
	s5 =	smul.u32 $0xC80, s3;
	s25 =	sshrl.u32 s7, $0x1  }
0xc: {  	s6 =	smul.u32 $0x320000, s3;
	s3 =	sadd.s32 $0x1000, s4;
	s7 =	ssub.s32 s7, s25  }
0xd: {  	s1 =	sadd.s32 s1, s8;
	s25 =	simm.s32 $0x6200;
	s4 =	sadd.s32 s0, s5  }
0xe: {  	s26 =	sshrl.u32 s6, $0x3;
	s5 =	smax.u32 s7, $0x1;
	s8 =	sshrl.u32 s1, $0x3  }
0xf: {  	s10 =	sor.u32 $0x10000, s1;
	s0 =	sadd.s32 s9, s26;
	s1 =	sadd.s32 s8, s9  }
0x10: {  	s31 =	sshrl.u32 s10, $0x3;
	s10 =	simm.s32 $0x3;
	s26 =	simm.s32 $0x6280  }
0x11: {  	s6 =	sadd.s32 $0x60000, s0;
	s7 =	sadd.s32 $0x62000, s0;
	s0 =	sadd.s32 s31, s9  }
.LBB2_1:
0x12: {  	[tilespmem:s2], [sflag:$0x3] =	stream.linear.gather [hbm4b:s4+s2], $0x6400, $0x38;
	[tilespmem:$0x16400] =	vst v63  }
0x13: {  	_ =	swait.ge [sflag:s10], $0x6400  }
0x14: {  	[sflag:s10] =	ssyncset.done $0x0  }
0x15: {  	[sflag:s10] =	ssyncadd.s32 $0xFFFF9C00  }
0x16: {  	[tilespmem:s12], [sflag:$0x1] =	stream.indirect.gather [hbm4b:s3+s11], $0x40, s2, s11, $0xb8;
	[tilespmem:$0x16400] =	vst v63  }
0x17: {  	_ = 	snop  }
0x18: {  	[tilespmem:s13], [sflag:$0x1] =	stream.indirect.gather [hbm4b:s3+s11], $0x40, s11, s11, $0xb8;
	[tilespmem:$0x16400] =	vst v63  }
0x19: {  	s8 =	simm.s32 $0x100  }
0x1a: {  	[tilespmem:s15], [sflag:$0x1] =	stream.indirect.gather [hbm4b:s3+s11], $0x40, s8, s11, $0xb8;
	[tilespmem:$0x16400] =	vst v63  }
0x1b: {  	s9 =	simm.s32 $0x180  }
0x1c: {  	[tilespmem:s17], [sflag:$0x1] =	stream.indirect.gather [hbm4b:s3+s11], $0x40, s9, s11, $0xb8;
	[tilespmem:$0x16400] =	vst v63  }
0x1d: {  	_ =	swait.ge [sflag:s18], $0x8000  }
0x1e: {  	[sflag:s18] =	ssyncset.done $0x0  }
0x1f: {  	s14 =	simm.s32 $0x200;
	[sflag:s18] =	ssyncadd.s32 $0xFFFF8000  }
0x20: {  	[tilespmem:s19], [sflag:$0x2] =	stream.indirect.gather [hbm4b:s3+s11], $0x40, s14, s11, $0xb8;
	[tilespmem:$0x16400] =	vst v63  }
0x21: {  	s16 =	simm.s32 $0x280  }
0x22: {  	[tilespmem:s20], [sflag:$0x2] =	stream.indirect.gather [hbm4b:s3+s11], $0x40, s16, s11, $0xb8;
	[tilespmem:$0x16400] =	vst v63  }
0x23: {  	s9 =	simm.s32 $0x300  }
0x24: {  	[tilespmem:s21], [sflag:$0x2] =	stream.indirect.gather [hbm4b:s3+s11], $0x40, s9, s11, $0xb8;
	[tilespmem:$0x16400] =	vst v63  }
0x25: {  	s14 =	simm.s32 $0x380  }
0x26: {  	[tilespmem:s22], [sflag:$0x2] =	stream.indirect.gather [hbm4b:s3+s11], $0x40, s14, s11, $0xb8;
	[tilespmem:$0x16400] =	vst v63  }
0x27: {  	_ = 	snop  }
0x28: {  	[hbm4b:s1+s23] =	stream.strided.scatter [tilespmem:s12], [sflag:$0x3], $0x8000, s11, s23, $0x38;
	[tilespmem:$0x16400] =	vst v63  }
0x29: {  	_ =	swait.ge [sflag:s10], $0x8000  }
0x2a: {  	[sflag:s10] =	ssyncset.done $0x0  }
0x2b: {  	[sflag:s10] =	ssyncadd.s32 $0xFFFF8000  }
0x2c: {  	_ =	swait.ge [sflag:s24], $0x8000  }
0x2d: {  	[sflag:s24] =	ssyncset.done $0x0  }
0x2e: {  	s16 =	simm.s32 $0x400;
	[sflag:s24] =	ssyncadd.s32 $0xFFFF8000  }
0x2f: {  	[tilespmem:s12], [sflag:$0x1] =	stream.indirect.gather [hbm4b:s3+s11], $0x40, s16, s11, $0xb8;
	[tilespmem:$0x16400] =	vst v63  }
0x30: {  	s9 =	simm.s32 $0x480  }
0x31: {  	[tilespmem:s13], [sflag:$0x1] =	stream.indirect.gather [hbm4b:s3+s11], $0x40, s9, s11, $0xb8;
	[tilespmem:$0x16400] =	vst v63  }
0x32: {  	s14 =	simm.s32 $0x500  }
0x33: {  	[tilespmem:s15], [sflag:$0x1] =	stream.indirect.gather [hbm4b:s3+s11], $0x40, s14, s11, $0xb8;
	[tilespmem:$0x16400] =	vst v63  }
0x34: {  	s16 =	simm.s32 $0x580  }
0x35: {  	[tilespmem:s17], [sflag:$0x1] =	stream.indirect.gather [hbm4b:s3+s11], $0x40, s16, s11, $0xb8;
	[tilespmem:$0x16400] =	vst v63  }
0x36: {  	_ = 	snop  }
0x37: {  	[hbm4b:s0+s23] =	stream.strided.scatter [tilespmem:s19], [sflag:$0x3], $0x8000, s11, s23, $0x38;
	[tilespmem:$0x16400] =	vst v63  }
0x38: {  	s31 =	simm.s32 $0x1000;
	_ =	swait.ge [sflag:s10], $0x8000  }
0x39: {  	s8 =	smov.u32 s1;
	s9 =	smov.u32 s0;
	[sflag:s10] =	ssyncset.done $0x0  }
.LBB2_2:
0x3a: {  	[sflag:s10] =	ssyncadd.s32 $0xFFFF8000;
	s8 =	sadd.s32 $0x4000, s8;
	s9 =	sadd.s32 $0x4000, s9  }
0x3b: {  	p0 =	sne.s32 s31, $0x17000;
	s14 =	smov.u32 s31;
	s31 =	sadd.s32 $0x1000, s31  }
0x3c: {  	_ =	swait.ge [sflag:s18], $0x8000  }
0x3d: {  	s14 =	sshra.s32 s14, $0x2;
	[sflag:s18] =	ssyncset.done $0x0  }
0x3e: {  	s16 =	sadd.s32 $0x200, s14;
	[sflag:s18] =	ssyncadd.s32 $0xFFFF8000  }
0x3f: {  	[tilespmem:s19], [sflag:$0x2] =	stream.indirect.gather [hbm4b:s3+s11], $0x40, s16, s11, $0xb8;
	[tilespmem:$0x16400] =	vst v63  }
0x40: {  	s16 =	sadd.s32 $0x280, s14  }
0x41: {  	[tilespmem:s20], [sflag:$0x2] =	stream.indirect.gather [hbm4b:s3+s11], $0x40, s16, s11, $0xb8;
	[tilespmem:$0x16400] =	vst v63  }
0x42: {  	s16 =	sadd.s32 $0x300, s14  }
0x43: {  	[tilespmem:s21], [sflag:$0x2] =	stream.indirect.gather [hbm4b:s3+s11], $0x40, s16, s11, $0xb8;
	[tilespmem:$0x16400] =	vst v63  }
0x44: {  	s16 =	sadd.s32 $0x380, s14  }
0x45: {  	[tilespmem:s22], [sflag:$0x2] =	stream.indirect.gather [hbm4b:s3+s11], $0x40, s16, s11, $0xb8;
	[tilespmem:$0x16400] =	vst v63  }
0x46: {  	_ = 	snop  }
0x47: {  	[hbm4b:s8+s23] =	stream.strided.scatter [tilespmem:s12], [sflag:$0x3], $0x8000, s11, s23, $0x38;
	[tilespmem:$0x16400] =	vst v63  }
0x48: {  	_ =	swait.ge [sflag:s10], $0x8000  }
0x49: {  	[sflag:s10] =	ssyncset.done $0x0  }
0x4a: {  	[sflag:s10] =	ssyncadd.s32 $0xFFFF8000  }
0x4b: {  	_ =	swait.ge [sflag:s24], $0x8000  }
0x4c: {  	[sflag:s24] =	ssyncset.done $0x0  }
0x4d: {  	s16 =	sadd.s32 $0x400, s14;
	[sflag:s24] =	ssyncadd.s32 $0xFFFF8000  }
0x4e: {  	[tilespmem:s12], [sflag:$0x1] =	stream.indirect.gather [hbm4b:s3+s11], $0x40, s16, s11, $0xb8;
	[tilespmem:$0x16400] =	vst v63  }
0x4f: {  	s16 =	sadd.s32 $0x480, s14  }
0x50: {  	[tilespmem:s13], [sflag:$0x1] =	stream.indirect.gather [hbm4b:s3+s11], $0x40, s16, s11, $0xb8;
	[tilespmem:$0x16400] =	vst v63  }
0x51: {  	s16 =	sadd.s32 $0x500, s14  }
0x52: {  	[tilespmem:s15], [sflag:$0x1] =	stream.indirect.gather [hbm4b:s3+s11], $0x40, s16, s11, $0xb8;
	[tilespmem:$0x16400] =	vst v63  }
0x53: {  	s14 =	sadd.s32 $0x580, s14  }
0x54: {  	[tilespmem:s17], [sflag:$0x1] =	stream.indirect.gather [hbm4b:s3+s11], $0x40, s14, s11, $0xb8;
	[tilespmem:$0x16400] =	vst v63  }
.Ltmp0:
0x55: {  	_ = 	snop;
	(pc) =	sbr.rel @p0 .LBB2_2-.Ltmp0, $4  }
0x56: {  	_ = 	snop  }
0x57: {  	[hbm4b:s9+s23] =	stream.strided.scatter [tilespmem:s19], [sflag:$0x3], $0x8000, s11, s23, $0x38;
	[tilespmem:$0x16400] =	vst v63  }
0x58: {  	_ =	swait.ge [sflag:s10], $0x8000  }
0x59: {  	[sflag:s10] =	ssyncset.done $0x0  }
0x5a: {  	[sflag:s10] =	ssyncadd.s32 $0xFFFF8000  }
0x5b: {  	_ =	swait.ge [sflag:s18], $0x8000  }
0x5c: {  	[sflag:s18] =	ssyncset.done $0x0  }
0x5d: {  	[sflag:s18] =	ssyncadd.s32 $0xFFFF8000  }
0x5e: {  	[tilespmem:s19], [sflag:$0x2] =	stream.indirect.gather [hbm4b:s3+s11], $0x40, s25, s11, $0xb8;
	[tilespmem:$0x16400] =	vst v63  }
0x5f: {  	_ = 	snop  }
0x60: {  	[tilespmem:s20], [sflag:$0x2] =	stream.indirect.gather [hbm4b:s3+s11], $0x40, s26, s11, $0xb8;
	[tilespmem:$0x16400] =	vst v63  }
0x61: {  	_ = 	snop  }
0x62: {  	[tilespmem:s21], [sflag:$0x2] =	stream.indirect.gather [hbm4b:s3+s11], $0x40, s28, s11, $0xb8;
	[tilespmem:$0x16400] =	vst v63  }
0x63: {  	_ = 	snop  }
0x64: {  	[tilespmem:s22], [sflag:$0x2] =	stream.indirect.gather [hbm4b:s3+s11], $0x40, s29, s11, $0xb8;
	[tilespmem:$0x16400] =	vst v63  }
0x65: {  	_ = 	snop  }
0x66: {  	[hbm4b:s6+s23] =	stream.strided.scatter [tilespmem:s12], [sflag:$0x3], $0x8000, s11, s23, $0x38;
	[tilespmem:$0x16400] =	vst v63  }
0x67: {  	_ =	swait.ge [sflag:s10], $0x8000  }
0x68: {  	[sflag:s10] =	ssyncset.done $0x0  }
0x69: {  	[sflag:s10] =	ssyncadd.s32 $0xFFFF8000  }
0x6a: {  	s30 =	sadd.s32 $0x1, s30;
	_ =	swait.ge [sflag:s24], $0x8000  }
0x6b: {  	p0 =	sne.s32 s30, s5;
	[sflag:s24] =	ssyncset.done $0x0  }
.Ltmp1:
0x6c: {  	[sflag:s24] =	ssyncadd.s32 $0xFFFF8000;
	(pc) =	sbr.rel @p0 .LBB2_1-.Ltmp1, $4  }
0x6d: {  	[hbm4b:s7+s23] =	stream.strided.scatter [tilespmem:s19], [sflag:$0x3], $0x8000, s11, s23, $0x38;
	[tilespmem:$0x16400] =	vst v63  }
0x6e: {  	_ =	swait.ge [sflag:s10], $0x8000  }
0x6f: {  	[sflag:s10] =	ssyncset.done $0x0  }
0x70: {  	[sflag:s10] =	ssyncadd.s32 $0xFFFF8000  }
0x71: {  	_ =	sfence.sel $0x180000  }
0x72: {  	[bflag:$0x0] =	sbarrier.arrive $0xFFFF  }
0x73: {  	_ =	strace $0x9000004A  }
0x74: {  	s0 =	stileid.u32;
	[bflag:$0x2] =	sbarrier.arrive $0xFFFF  }
0x75: {  	p0 =	sne.s32 s0, $0x0;
	s0 =	rddreg [dreg:$0x2]  }
0x76: {  	s0 =	sadd.s32 @!p0 $0x100000, s0  }
0x77: {  	[sflag:s0] =	ssyncadd.tile.s32 @!p0 $0x1;
	_ =	shalt  }
.Lfunc_end2:
_tile_overlayer_lowered:
.L_overlay_start_2:
0x78: {  	(tag) =	ssettag $0x2  }
0x79: {  	s0 =	rddreg [dreg:$0x0];
	s2 =	stileid.u32  }
0x7a: {  	s1 =	rddreg [dreg:$0x1];
	p0 =	sne.s32 s2, $0x0  }
0x7b: {  	s3 =	rddreg [dreg:$0x2];
	[bflag:$0x3] =	sbarrier.arrive $0xFFFF;
	s2 =	simm.s32 @!p0 $0x1C03  }
0x7c: {  	[timem:s3], [sflag:s2] =	dma.local @!p0 [hbm:s0], s1  }
0x7d: {  	s0 =	simm.s32 @!p0 $0x3  }
0x7e: {  	_ =	swait.ge @!p0 [sflag:s0], s1  }
0x7f: {  	s1 =	ssub.s32 @!p0 $0x0, s1;
	[sflag:s0] =	ssyncset.done @!p0 $0x0  }
0x80: {  	[sflag:s0] =	ssyncadd.s32 @!p0 s1  }
0x81: {  	[bflag:$0x3] =	sbarrier.arrive $0xFFFF  }
0x82: {  	_ =	shalt  }

// kernel: sparse-core-data-format-call.cloned.1.call-start
scs
called_computation_lowered:
.L_overlay_start_0:
0x0: {  	s2 =	sld [smem:$0x3FD9]  }
0x1: {  	s3 =	sld [smem:$0x3FFE];
	_ =	sdelay $0x1  }
0x2: {  	s1 =	srdreg.scid  }
0x3: {  	s0 =	sand.u32 $0x1, s1  }
0x4: {  	s18 =	sshll.u32 s0, $0xA;
	s2 =	sadd.s32 s3, s2  }
0x5: {  	s2 =	sadd.s32 s2, s18  }
0x6: {  	[smem:$0x3FC6] =	sst s2  }
0x7: {  	_ = 	snop  }
0x8: {  	s2 =	sld [smem:$0x3FD0];
	(tm) =	ssettm $0x1  }
0x9: {  	s19 =	sld [smem:$0x3FFB];
	_ =	sdelay $0x3  }
0xa: {  	_ =	strace s19  }
0xb: {  	s3 =	sld [smem:$0x3FFC];
	_ =	sdelay $0x3  }
0xc: {  	_ =	strace s3  }
0xd: {  	s3 =	sld [smem:$0x3FFD];
	_ =	sdelay $0x3  }
0xe: {  	_ =	strace s3  }
0xf: {  	_ =	strace $0x8FFFFFFF  }
0x10: {  	s20 =	sld [smem:$0x3FDB];
	_ =	sdelay $0x1  }
0x11: {  	s4 =	simm.s32 $_scs_section_size  }
0x12: {  	s5 =	simm.s32 $_size__tile_overlayer_lowered;
	s6 =	simm.s32 $_tile_overlayer_lowered  }
0x13: {  	s23 =	simm.s32 $0x1BFF;
	s22 =	sshll.u32 s6, $0x1;
	s3 =	sadd.s32 s4, s20  }
0x14: {  	s7 =	simm.s32 $0x0;
	s21 =	sshll.u32 s5, $0x1;
	s5 =	sadd.s32 s22, s3  }
0x15: {  	[timem:s7], [sflag:s23] =	dma.local [hbm:s5], s21  }
0x16: {  	_ =	swait.ge [sflag:s23], s21  }
0x17: {  	s4 =	ssub.s32 $0x0, s21;
	[sflag:s23] =	ssyncset.done $0x0  }
0x18: {  	[sflag:s23] =	ssyncadd.s32 s4;
	_ =	sdelay $0x1  }
0x19: {  	s24 =	simm.s32 $0x1B8B  }
0x1a: {  	_ =	swait.ge [sflag:s24], $0x1  }
0x1b: {  	[sflag:s24] =	ssyncset.done $0x0  }
0x1c: {  	s26 =	simm.s32 $0x1B8E;
	s25 =	sld [smem:$0x3FFE];
	[sflag:s24] =	ssyncadd.s32 $0xFFFFFFFF  }
0x1d: {  	s27 =	simm.s32 $execute0_lowered;
	[smem:$0x3FD2] =	sst s26  }
0x1e: {  	s5 =	sshll.u32 s27, $0x1;
	_ =	strace $0x8000004C;
	[dreg:$0x1] =	wrdreg $0xFFFFFFFF  }
0x1f: {  	s28 =	simm.s32 $_size_execute0_lowered;
	s3 =	sadd.s32 s3, s5;
	[dreg:$0x0] =	wrdreg $0x0  }
0x20: {  	s5 =	sshll.u32 s28, $0x1;
	[dreg:$0x2] =	wrdreg s3  }
0x21: {  	[dreg:$0x3] =	wrdreg s5  }
0x22: {  	[dreg:$0x4] =	wrdreg $0xC0  }
0x23: {  	_ =	task [dreg:s7], $0x5FFFF  }
0x24: {  	[dreg:$0x1] =	wrdreg $0xFFFFFFFF  }
0x25: {  	[dreg:$0x0] =	wrdreg $0x60  }
0x26: {  	[dreg:$0x2] =	wrdreg s25  }
0x27: {  	[dreg:$0x3] =	wrdreg s2  }
0x28: {  	[dreg:$0x4] =	wrdreg $0x9  }
0x29: {  	_ =	task.clear_ibuf [dreg:s7], $0x5FFFF;
	_ =	strace $0x9000004C  }
0x2a: {  	s29 =	simm.s32 $0x9;
	_ =	strace $0x8000004E  }
0x2b: {  	_ =	swait.ge [sflag:s29], $0x1  }
0x2c: {  	[sflag:s29] =	ssyncadd.s32 $0xFFFFFFFF  }
0x2d: {  	_ =	strace $0x9000004E  }
0x2e: {  	_ =	sfence  }
0x2f: {  	s30 =	sld [smem:$0x0];
	_ =	sdelay $0x2  }
0x30: {  	s31 =	sshll.u32 s1, $0xD;
	s1 =	sshrl.u32 s1, $0x2  }
0x31: {  	s3 =	sand.u32 $0x4000, s31;
	s1 =	sadd.s32 s1, s30  }
0x32: {  	s0 =	sor.u32 s3, s0;
	s1 =	sshll.u32 s1, $0x11  }
0x33: {  	s0 =	sor.u32 s1, s0  }
0x34: {  	s0 =	sadd.s32 $0x8F2B, s0  }
0x35: {  	[sflag:s0] =	ssyncadd.remote.s32 $0x1  }
0x36: {  	_ =	sfence.sel $0xFFFF  }
0x37: {  	[dreg:$0x0] =	wrdreg $0xFFFFFFFF;
	(pc) =	sbr.abs _section_cstart, $3  }
0x38: {  	[dreg:$0x1] =	wrdreg $0xFFFFFFFF  }
0x39: {  	_ =	task.clear_ibuf [dreg:s7], $0x2FFFF;
	_ =	strace $0x9FFFFFFF  }
0x3a: {  	(tm) =	ssettm $0x7FFFFFFF  }
0x3b: {  	_ =	shalt  }
tec
execute0_lowered:
.L_overlay_start_1:
0x0: {  	(tag) =	ssettag $0x1  }
0x1: {  	s0 =	srdreg.scid  }
0x2: {  	s1 =	sshll.u32 s0, $0x4  }
0x3: {  	s0 =	stileid.u32;
	s1 =	sand.u32 $0x10, s1  }
0x4: {  	s1 =	sor.u32 s0, s1  }
0x5: {  	s6 =	rddreg [dreg:$0x0];
	s4 =	simm.s32 $0x1;
	s2 =	sshll.u32 s1, $0x7  }
0x6: {  	s7 =	simm.s32 $0x2;
	s12 =	simm.s32 $0x0;
	s1 =	ssub.s32 $0x1000, s2  }
0x7: {  	s8 =	simm.s32 $0x8000;
	s13 =	simm.s32 $0x0;
	s3 =	sand.u32 $0xF80, s1  }
0x8: {  	s9 =	simm.s32 $0x0;
	s5 =	sshrl.u32 s1, $0xC;
	p0 =	sne.s32 s3, $0x0  }
.Ltmp0:
0x9: {  	s1 =	rddreg [dreg:$0x2];
	s4 =	simm.s32 @!p0 $0x0;
	(pc) =	sbr.rel .LBB1_1-.Ltmp0, $4  }
0xa: {  	s11 =	simm.s32 $0x0;
	s3 =	rddreg [dreg:$0x1];
	s5 =	sadd.s32 s4, s5  }
0xb: {  	_ =	strace $0x8000004D;
	s4 =	simm.s32 $0x1;
	s5 =	smul.u32 $0xC8, s5  }
0xc: {  	s6 =	sadd.s32 $0x7A2200, s6;
	s10 =	smov.u32 s2;
	[sflag:s4] =	ssyncpa.u1 $0x0  }
0xd: {  	p0 =	por $0x0, $0x0;
	[sflag:s7] =	ssyncpa.u1 $0x0;
	s7 =	sor.u32 $0x1, s5  }
.LBB1_4:
0xe: {  	s16 =	sshll.u32 s13, $0x3;
	s17 =	sand.u32 $0x78, s13  }
0xf: {  	s30 =	sand.u32 $0x7E00, s13;
	s12 =	sshll.u32 s12, $0xF;
	s16 =	sand.u32 $0xC00, s16  }
0x10: {  	[tilespmem:s15+$0x810 ss:$0x81] =	vst.msk $0xffff, v2;
	s31 =	sand.u32 $0x7, s13;
	s16 =	sor.u32 s17, s16;
	s17 =	sadd.s32 s3, s30  }
0x11: {  	[tilespmem:s15+$0x1020 ss:$0x81] =	vst.msk $0xffff, v0;
	s13 =	sshll.u32 s31, $0x12;
	s12 =	sadd.s32 s12, s17;
	s16 =	sshrl.u32 s16, $0x3  }
0x12: {  	[tilespmem:s15+$0x0 ss:$0x81] =	vst.msk $0xffff, v1;
	s13 =	sor.u32 $0x400, s13;
	s12 =	sadd.s32 s16, s12  }
0x13: {  	[hbm4b:s12+s13] =	stream.strided.scatter [tilespmem:s14], [sflag:$0x2], $0x2000, s8, s13, $0x20;
	[tilespmem:$0x8080] =	vst v63  }
.LBB1_5:
0x14: {  	s14 =	sadd.s32 $0x1, s9  }
0x15: {  	s12 =	sadd.s32 $0x1000, s10;
	s16 =	smov.u32 s10;
	p2 =	sgt.s32 s14, $0xC7  }
0x16: {  	s16 =	smov.u32 @p2 s12  }
0x17: {  	s14 =	simm.s32 @p2 $0x0;
	p2 =	sgt.s32 s16, $0xFFF  }
0x18: {  	s16 =	smov.u32 @p2 s2;
	p2 =	sne.s32 s11, s7  }
.Ltmp1:
0x19: {  	p1 =	slt.u32 s11, $0x2;
	(pc) =	sbr.rel @!p2 .LBB1_6-.Ltmp1, $4  }
0x1a: {  	s15 =	simm.s32 @!p1 $0x2  }
0x1b: {  	s13 =	smov.u32 s10;
	p0 =	por !p0, !p0;
	_ =	swait.ge @!p1 [sflag:s15], $0x2000  }
0x1c: {  	s12 =	smov.u32 s9;
	[sflag:s15] =	ssyncset.done @!p1 $0x0;
	s9 =	smov.u32 s14  }
0x1d: {  	s11 =	sadd.s32 $0x1, s11;
	[sflag:s15] =	ssyncadd.s32 @!p1 $0xFFFFE000;
	s10 =	smov.u32 s16  }
.LBB1_1:
0x1e: {  	p1 =	sge.u32 s11, s5  }
0x1f: {  	s14 =	sand.u32 @!p1 $0x1FFFFFF, s9  }
0x20: {  	s15 =	smulhi.u32 @!p1 $0x147AE15, s14;
	_ =	sdelay $0x1  }
0x21: {  	s15 =	smul.u32 @!p1 $0xC8, s15  }
0x22: {  	s16 =	sxor.u32 @!p1 $0xFFFFFFFF, s11;
	s17 =	smul.u32 @!p1 $0xC80, s10  }
0x23: {  	s31 =	sadd.s32 $0xFFFFFFFF, s11;
	s16 =	sshll.u32 @!p1 s16, $0xD;
	s14 =	ssub.s32 @!p1 s14, s15  }
0x24: {  	s15 =	sand.u32 @!p1 $0x2000, s16;
	s16 =	sadd.s32 @!p1 s6, s17;
	s14 =	sshll.u32 @!p1 s14, $0x4  }
0x25: {  	s17 =	simm.s32 @!p1 $0x6400;
	s14 =	sadd.s32 @!p1 s14, s16;
	s16 =	simm.s32 @!p1 $0x40  }
0x26: {  	[tilespmem:s15], [sflag:$0x1] =	stream.strided.gather @!p1 [hbm4b:s14+s16], $0x2000, s17, s16, $0x38;
	[tilespmem:$0x8080] =	vst v63  }
0x27: {  	p1 =	sge.u32 s31, s5  }
.Ltmp2:
0x28: {  	_ = 	snop;
	(pc) =	sbr.rel @p1 .LBB1_5-.Ltmp2, $1  }
0x29: {  	_ =	sdelay $0x3  }
0x2a: {  	s14 =	simm.s32 $0x1  }
0x2b: {  	_ =	swait.ge [sflag:s4], $0x2000;
	s14 =	simm.s32 @!p0 $0x0  }
0x2c: {  	[sflag:s4] =	ssyncset.done $0x0;
	s15 =	sshll.u32 s14, $0xD  }
0x2d: {  	[sflag:s4] =	ssyncadd.s32 $0xFFFFE000;
	s18 =	sor.u32 $0x20, s15  }
0x2e: {  	s14 =	smul.u32 $0x8100, s14;
	v3 =	vld [tilespmem:s18+$0x10]  }
0x2f: {  	s30 =	sand.u32 $0x1, s11;
	v2 =	vld [tilespmem:s18+$0xFFFFFFF0]  }
0x30: {  	s15 =	smul.u32 $0x8100, s30;
	s14 =	sshrl.u32 s14, $0x2;
	v0 =	vld [tilespmem:s18+$0x0]  }
0x31: {  	v1 =	vld [tilespmem:s18+$0xFFFFFFE0];
	s16 =	sor.u32 $0x4000, s14  }
0x32: {  	s31 =	sshrl.u32 s15, $0x2;
	s15 =	sadd.s32 $0x0, s16  }
0x33: {  	s17 =	simm.s32 $0x4;
	s18 =	sadd.s32 $0x40, s18;
	s14 =	sor.u32 $0x4000, s31;
	[tilespmem:s15+$0x1830 ss:$0x81] =	vst.msk $0xffff, v3  }
.LBB1_3:
0x34: {  	v3 =	vld [tilespmem:s18+$0x10];
	p1 =	sne.s32 s17, $0x1FC;
	[tilespmem:s15+$0x810 ss:$0x81] =	vst.msk $0xffff, v2;
	s19 =	smov.u32 s17;
	s17 =	sadd.s32 $0x4, s17  }
.Ltmp3:
0x35: {  	v2 =	vld [tilespmem:s18+$0xFFFFFFF0];
	[tilespmem:s15+$0x1020 ss:$0x81] =	vst.msk $0xffff, v0;
	(pc) =	sbr.rel @p1 .LBB1_3-.Ltmp3, $4  }
0x36: {  	v0 =	vld [tilespmem:s18+$0x0];
	[tilespmem:s15+$0x0 ss:$0x81] =	vst.msk $0xffff, v1  }
0x37: {  	s15 =	sshra.s32 s19, $0x2;
	v1 =	vld [tilespmem:s18+$0xFFFFFFE0]  }
0x38: {  	s15 =	sadd.s32 s15, s16  }
0x39: {  	s18 =	sadd.s32 $0x40, s18;
	[tilespmem:s15+$0x1830 ss:$0x81] =	vst.msk $0xffff, v3  }
.Ltmp4:
0x3a: {  	_ = 	snop;
	(pc) =	sbr.rel .LBB1_4-.Ltmp4, $1  }
0x3b: {  	_ =	sdelay $0x3  }
.LBB1_6:
0x3c: {  	_ =	sfence.sel $0x180000  }
0x3d: {  	s2 =	simm.s32 $0x1;
	[bflag:$0x0] =	sbarrier.arrive $0xFFFF  }
0x3e: {  	s31 =	simm.s32 $0x2;
	[sflag:s2] =	ssyncpa.u1 $0x1  }
0x3f: {  	[sflag:s31] =	ssyncpa.u1 $0x1  }
0x40: {  	p0 =	sne.s32 s0, $0x0;
	_ =	strace $0x9000004D  }
0x41: {  	s0 =	sadd.s32 @!p0 $0x100000, s1;
	[bflag:$0x2] =	sbarrier.arrive $0xFFFF  }
0x42: {  	[sflag:s0] =	ssyncadd.tile.s32 @!p0 $0x1;
	_ =	shalt  }
.Lfunc_end1:
_tile_overlayer_lowered:
.L_overlay_start_2:
0x43: {  	(tag) =	ssettag $0x2  }
0x44: {  	s0 =	rddreg [dreg:$0x0];
	s2 =	stileid.u32  }
0x45: {  	s1 =	rddreg [dreg:$0x1];
	p0 =	sne.s32 s2, $0x0  }
0x46: {  	s3 =	rddreg [dreg:$0x2];
	[bflag:$0x3] =	sbarrier.arrive $0xFFFF;
	s2 =	simm.s32 @!p0 $0x1C01  }
0x47: {  	[timem:s3], [sflag:s2] =	dma.local @!p0 [hbm:s0], s1  }
0x48: {  	s0 =	simm.s32 @!p0 $0x1  }
0x49: {  	_ =	swait.ge @!p0 [sflag:s0], s1  }
0x4a: {  	s1 =	ssub.s32 @!p0 $0x0, s1;
	[sflag:s0] =	ssyncset.done @!p0 $0x0  }
0x4b: {  	[sflag:s0] =	ssyncadd.s32 @!p0 s1  }
0x4c: {  	[bflag:$0x3] =	sbarrier.arrive $0xFFFF  }
0x4d: {  	_ =	shalt  }

</sc_bundles>
